<compile_context>
chip_gen: v7x
topology: tpu7x:2x2x1
jax: 0.10.2.dev20260603
libtpu: 0.0.44.dev20260713+nightly
codegen_flags: <defaults>
</compile_context>

<pallas_src>
import functools

import numpy as np
import jax
import jax.numpy as jnp
from jax.experimental import pallas as pl
from jax.experimental.pallas import tpu as pltpu
from jax.experimental.pallas import tpu_sc as plsc

F = 26
B = 16384
VOCAB = 100000
D = 32
H1, H2 = 512, 256
FD = F * D
FF = F * F
GW = 128
BBLK = 512


def _sc_gather(tables2d, gidx, bc):
    mesh = plsc.VectorSubcoreMesh(core_axis_name="core", subcore_axis_name="subcore")

    @functools.partial(
        pl.kernel,
        out_type=jax.ShapeDtypeStruct((bc, FD), jnp.float32),
        mesh=mesh,
        compiler_params=pltpu.CompilerParams(use_tc_tiling_on_sc=False),
    )
    def gather_kernel(tab_hbm, idx_hbm, out_hbm):
        def body(i_vmem, o_vmem):
            pltpu.sync_copy(tab_hbm.at[i_vmem.at[0]], o_vmem)

        pltpu.emit_pipeline(
            body,
            grid=(F, bc // GW),
            in_specs=[
                pl.BlockSpec((1, GW), index_map=lambda f, b: (0, f * (bc // GW) + b))
            ],
            out_specs=[pl.BlockSpec((GW, D), index_map=lambda f, b: (b, f))],
            core_axis_name=("core", "subcore"),
            dimension_semantics=(pltpu.PARALLEL, pltpu.PARALLEL),
        )(idx_hbm, out_hbm)

    return gather_kernel(tables2d, gidx)


def _tc_body(flat_ref, w1a_ref, w1c_ref, b1_ref, w2_ref, b2_ref, w3_ref, b3_ref,
             out_ref, dots_ref):
    fl = flat_ref[...]
    ft = fl.T
    ft3 = ft.reshape(F, D, BBLK)
    for i in range(F):
        prod = ft3 * ft3[i][None]
        dots_ref[pl.ds(i * F, F), :] = jnp.sum(prod, axis=1)
    h = jnp.dot(w1a_ref[...], ft, preferred_element_type=jnp.float32)
    h = h + jnp.dot(w1c_ref[...], dots_ref[...], preferred_element_type=jnp.float32)
    h = jnp.maximum(h + b1_ref[...], 0.0)
    h2 = jnp.dot(w2_ref[...], h, preferred_element_type=jnp.float32) + b2_ref[...]
    h2 = jnp.maximum(h2, 0.0)
    out_ref[...] = jnp.dot(w3_ref[...], h2, preferred_element_type=jnp.float32) + b3_ref[...]


def _tc_mlp(embs, w1aT, w1cT, b1c, w2T, b2c, w3T, b3s, bc):
    return pl.pallas_call(
        _tc_body,
        grid=(bc // BBLK,),
        in_specs=[
            pl.BlockSpec((BBLK, FD), lambda i: (i, 0)),
            pl.BlockSpec((H1, FD), lambda i: (0, 0)),
            pl.BlockSpec((H1, FF), lambda i: (0, 0)),
            pl.BlockSpec((H1, 1), lambda i: (0, 0)),
            pl.BlockSpec((H2, H1), lambda i: (0, 0)),
            pl.BlockSpec((H2, 1), lambda i: (0, 0)),
            pl.BlockSpec((1, H2), lambda i: (0, 0)),
            pl.BlockSpec((1, 1), lambda i: (0, 0)),
        ],
        out_specs=pl.BlockSpec((1, BBLK), lambda i: (0, i)),
        out_shape=jax.ShapeDtypeStruct((1, bc), jnp.float32),
        scratch_shapes=[pltpu.VMEM((FF, BBLK), jnp.float32)],
    )(embs, w1aT, w1cT, b1c, w2T, b2c, w3T, b3s)


_IU, _JU = np.triu_indices(F, k=1)
_UP = np.asarray(_IU * F + _JU)
_LO = np.asarray(_JU * F + _IU)


NCHUNK = 2


def kernel(indices, tables, W1, b1, W2, b2, W3, b3):
    tables2d = tables.reshape(F * VOCAB, D)
    offs = (jnp.arange(F, dtype=jnp.int32) * VOCAB)[:, None]
    gall = indices + offs

    W1a = W1[:FD]
    W1b = 0.5 * W1[FD:]
    W1c = jnp.zeros((FF, H1), W1.dtype).at[_UP].set(W1b).at[_LO].set(W1b)

    bc = B // NCHUNK
    outs = []
    for c in range(NCHUNK):
        gidx = gall[:, c * bc:(c + 1) * bc].reshape(1, F * bc)
        flat = _sc_gather(tables2d, gidx, bc)
        outs.append(_tc_mlp(flat, W1a.T, W1c.T, b1[:, None], W2.T, b2[:, None],
                            W3.T, b3.reshape(1, 1), bc))
    return jnp.concatenate(outs, axis=1).reshape(B)

# --- scband reference (transcript-rebuilt; emitter-appended) ---
"""Pipeline reference for scband-dlrm-72636486910486 (READ-ONLY COPY).

The authoritative reference and input builder live on the scoring server;
editing this copy changes nothing except your own understanding.
"""

import jax, jax.numpy as jnp
import numpy as np

N_FIELDS = 26
B = 16384
VOCAB = 100000
D = 32
H1, H2 = 512, 256
N_INTER = N_FIELDS * (N_FIELDS - 1) // 2
IN_DIM = N_FIELDS * D + N_INTER


def setup_inputs(seed: int = 0) -> dict:
    key = jax.random.key(seed)
    ks = jax.random.split(key, 8)
    # 26 sparse feature index vectors, stacked [F, B]
    indices = jax.random.randint(ks[0], (N_FIELDS, B), 0, VOCAB, dtype=jnp.int32)
    # one embedding table per field, stacked [F, VOCAB, D]
    tables = jax.random.normal(ks[1], (N_FIELDS, VOCAB, D), dtype=jnp.float32) * 0.02
    # MLP params: IN_DIM -> 512 -> 256 -> 1 (ReLU, last layer linear)
    W1 = jax.random.normal(ks[2], (IN_DIM, H1), dtype=jnp.float32) * (1.0 / np.sqrt(IN_DIM))
    b1 = jnp.zeros((H1,), dtype=jnp.float32)
    W2 = jax.random.normal(ks[3], (H1, H2), dtype=jnp.float32) * (1.0 / np.sqrt(H1))
    b2 = jnp.zeros((H2,), dtype=jnp.float32)
    W3 = jax.random.normal(ks[4], (H2, 1), dtype=jnp.float32) * (1.0 / np.sqrt(H2))
    b3 = jnp.zeros((1,), dtype=jnp.float32)
    return {"indices": indices, "tables": tables, "W1": W1, "b1": b1,
            "W2": W2, "b2": b2, "W3": W3, "b3": b3}


def reference(indices, tables, W1, b1, W2, b2, W3, b3):
    # per-field embedding lookup: [F, B, D]
    embs = jax.vmap(lambda t, i: jnp.take(t, i, axis=0))(tables, indices)
    # pairwise dot-product interactions in itertools.combinations order
    iu, ju = np.triu_indices(N_FIELDS, k=1)
    dots = jnp.einsum('fbd,gbd->bfg', embs, embs)  # [B, F, F]
    interactions = dots[:, iu, ju]  # [B, 325]
    # concat dense embedding features + interactions
    flat = jnp.transpose(embs, (1, 0, 2)).reshape(B, N_FIELDS * D)  # [B, 832]
    joint = jnp.concatenate([flat, interactions], axis=1)  # [B, 1157]
    h = jax.nn.relu(joint @ W1 + b1)
    h = jax.nn.relu(h @ W2 + b2)
    out = (h @ W3 + b3)
    return out.squeeze(-1)  # [B]

if __name__ == "__main__":
    import jax
    _d = setup_inputs()
    print(jax.jit(kernel)(*tuple(_d.values())))

</pallas_src>

<mosaic_0001>
#map = affine_map<(d0, d1) -> (0, 0)>
module attributes {stable_mosaic.version = 14 : i64} {
  func.func @gather_kernel(%arg0: i32, %arg1: i32, %arg2: memref<2600000x32xf32, #tpu.memory_space<hbm>>, %arg3: memref<1x212992xi32, #tpu.memory_space<hbm>>, %arg4: memref<8192x832xf32, #tpu.memory_space<hbm>>) attributes {dimension_semantics = [#tpu.dimension_semantics<core_parallel>, #tpu.dimension_semantics<subcore_parallel>], iteration_bounds = array<i64: 2, 16>, scalar_prefetch = 0 : i64, scratch_operands = 0 : i64, tpu.core_type = #tpu.core_type<sc_vector_subcore>, window_params = [{transform_indices = #map}, {transform_indices = #map}, {transform_indices = #map}]} {
    %mul3A = arith.constant 1 : i32
    %mul3A_0 = arith.muli %arg1, %mul3A : i32
    %add3A = arith.constant 0 : i32
    %add3A_1 = arith.addi %add3A, %mul3A_0 : i32
    %mul3A_2 = arith.constant 16 : i32
    %mul3A_3 = arith.muli %arg0, %mul3A_2 : i32
    %add3A_4 = arith.addi %add3A_1, %mul3A_3 : i32
    %mul3A_5 = arith.constant 2 : i32
    %mul3A_6 = arith.muli %add3A_4, %mul3A_5 : i32
    "tpu.region"() ({
      %run_scoped3A = memref.alloca() : memref<2x1x128xi32, #tpu.memory_space<vmem>>
      %run_scoped3A_7 = tpu.sem_alloc : memref<2x!tpu.dma_semaphore, #tpu.memory_space<semaphore_mem>>
      %run_scoped3A_8 = memref.alloca() : memref<2x128x32xf32, #tpu.memory_space<vmem>>
      %run_scoped3A_9 = tpu.sem_alloc : memref<2x!tpu.dma_semaphore, #tpu.memory_space<semaphore_mem>>
      %add3A_10 = arith.constant 0 : i32
      %add3A_11 = arith.addi %add3A_10, %mul3A_6 : i32
      %select_n3A = arith.constant true
      %select_n3A_12 = arith.constant 0 : i32
      %select_n3A_13 = arith.constant -1 : i32
      %select_n3A_14 = arith.select %select_n3A, %select_n3A_13, %select_n3A_12 : i32
      %eq3A = arith.constant -1 : i32
      %eq3A_15 = arith.cmpi eq, %select_n3A_14, %eq3A : i32
      %select_n3A_16 = arith.constant 1 : i32
      %select_n3A_17 = arith.select %eq3A_15, %select_n3A_16, %select_n3A_14 : i32
      %select_n3A_18 = arith.constant 0 : i32
      %select_n3A_19 = arith.constant -1 : i32
      %select_n3A_20 = arith.select %eq3A_15, %select_n3A_19, %select_n3A_18 : i32
      %eq3A_21 = arith.constant -1 : i32
      %eq3A_22 = arith.cmpi eq, %select_n3A_20, %eq3A_21 : i32
      %select_n3A_23 = arith.constant 25 : i32
      %select_n3A_24 = arith.select %eq3A_22, %select_n3A_23, %select_n3A_20 : i32
      %add3A_25 = arith.constant 0 : i32
      %add3A_26 = arith.addi %select_n3A_24, %add3A_25 : i32
      %add3A_27 = arith.addi %select_n3A_17, %mul3A_6 : i32
      %select_n3A_28 = arith.constant true
      %select_n3A_29 = arith.constant 0 : i32
      %select_n3A_30 = arith.constant 1 : i32
      %select_n3A_31 = arith.select %select_n3A_28, %select_n3A_30, %select_n3A_29 : i32
      %eq3A_32 = arith.constant 2 : i32
      %eq3A_33 = arith.cmpi eq, %select_n3A_31, %eq3A_32 : i32
      %select_n3A_34 = arith.constant 0 : i32
      %select_n3A_35 = arith.select %eq3A_33, %select_n3A_34, %select_n3A_31 : i32
      %select_n3A_36 = arith.constant 0 : i32
      %select_n3A_37 = arith.constant 1 : i32
      %select_n3A_38 = arith.select %eq3A_33, %select_n3A_37, %select_n3A_36 : i32
      %eq3A_39 = arith.constant 26 : i32
      %eq3A_40 = arith.cmpi eq, %select_n3A_38, %eq3A_39 : i32
      %select_n3A_41 = arith.constant 0 : i32
      %select_n3A_42 = arith.select %eq3A_40, %select_n3A_41, %select_n3A_38 : i32
      %add3A_43 = arith.constant 0 : i32
      %add3A_44 = arith.addi %select_n3A_42, %add3A_43 : i32
      %add3A_45 = arith.addi %select_n3A_35, %mul3A_6 : i32
      %add3A_46 = arith.constant 1 : i32
      %add3A_47 = arith.addi %select_n3A_35, %add3A_46 : i32
      %select_n3A_48 = arith.constant true
      %select_n3A_49 = arith.select %select_n3A_48, %add3A_47, %select_n3A_35 : i32
      %eq3A_50 = arith.constant 2 : i32
      %eq3A_51 = arith.cmpi eq, %select_n3A_49, %eq3A_50 : i32
      %select_n3A_52 = arith.constant 0 : i32
      %select_n3A_53 = arith.select %eq3A_51, %select_n3A_52, %select_n3A_49 : i32
      %add3A_54 = arith.constant 1 : i32
      %add3A_55 = arith.addi %select_n3A_42, %add3A_54 : i32
      %select_n3A_56 = arith.select %eq3A_51, %add3A_55, %select_n3A_42 : i32
      %eq3A_57 = arith.constant 26 : i32
      %eq3A_58 = arith.cmpi eq, %select_n3A_56, %eq3A_57 : i32
      %select_n3A_59 = arith.constant 0 : i32
      %select_n3A_60 = arith.select %eq3A_58, %select_n3A_59, %select_n3A_56 : i32
      %add3A_61 = arith.constant 0 : i32
      %add3A_62 = arith.addi %select_n3A_60, %add3A_61 : i32
      %add3A_63 = arith.addi %select_n3A_53, %mul3A_6 : i32
      "tpu.trace_start"() <{level = 10 : i32, message = "ep_initialize_0"}> : () -> ()
      %rem3A = arith.constant 0 : i32
      %rem3A_64 = arith.constant 2 : i32
      %rem3A_65 = arith.remui %rem3A, %rem3A_64 : i32
      %add3A_66 = arith.constant 0 : i32
      %add3A_67 = arith.addi %add3A_66, %add3A_11 : i32
      %mul3A_68 = arith.constant 128 : i32
      %mul3A_69 = arith.muli %mul3A_68, %add3A_67 : i32
      %dma_start3A = arith.constant 0 : i32
      %dma_start3A_70 = arith.constant 0 : i32
      %dma_start3A_71 = tpu.memref_slice %run_scoped3A[%rem3A_65, %dma_start3A, %dma_start3A_70] : memref<2x1x128xi32, #tpu.memory_space<vmem>> -> memref<1x1x128xi32, #tpu.memory_space<vmem>>
      %dma_start3A_72 = tpu.memref_squeeze %dma_start3A_71 : memref<1x1x128xi32, #tpu.memory_space<vmem>> -> memref<1x128xi32, #tpu.memory_space<vmem>>
      %dma_start3A_73 = arith.constant 0 : i32
      %dma_start3A_74 = tpu.memref_slice %arg3[%dma_start3A_73, %mul3A_69] : memref<1x212992xi32, #tpu.memory_space<hbm>> -> memref<1x128xi32, #tpu.memory_space<hbm>>
      %dma_start3A_75 = tpu.memref_slice %run_scoped3A_7[%rem3A_65] : memref<2x!tpu.dma_semaphore, #tpu.memory_space<semaphore_mem>> -> memref<1x!tpu.dma_semaphore, #tpu.memory_space<semaphore_mem>>
      %dma_start3A_76 = tpu.memref_squeeze %dma_start3A_75 : memref<1x!tpu.dma_semaphore, #tpu.memory_space<semaphore_mem>> -> memref<!tpu.dma_semaphore, #tpu.memory_space<semaphore_mem>>
      %dma_start3A_77 = arith.constant 0 : i32
      %dma_start3A_78 = arith.constant 0 : i32
      %dma_start3A_79 = tpu.memref_slice %run_scoped3A[%rem3A_65, %dma_start3A_77, %dma_start3A_78] : memref<2x1x128xi32, #tpu.memory_space<vmem>> -> memref<1x1x128xi32, #tpu.memory_space<vmem>>
      %dma_start3A_80 = tpu.memref_squeeze %dma_start3A_79 : memref<1x1x128xi32, #tpu.memory_space<vmem>> -> memref<1x128xi32, #tpu.memory_space<vmem>>
      %dma_start3A_81 = arith.constant 0 : i32
      %dma_start3A_82 = tpu.memref_slice %arg3[%dma_start3A_81, %mul3A_69] : memref<1x212992xi32, #tpu.memory_space<hbm>> -> memref<1x128xi32, #tpu.memory_space<hbm>>
      tpu.enqueue_dma source(%dma_start3A_82 : memref<1x128xi32, #tpu.memory_space<hbm>>) target(%dma_start3A_80 : memref<1x128xi32, #tpu.memory_space<vmem>>) target_semaphore(%dma_start3A_76 : memref<!tpu.dma_semaphore, #tpu.memory_space<semaphore_mem>>)
      %add3A_83 = arith.constant 0 : i32
      %add3A_84 = arith.constant 1 : i32
      %add3A_85 = arith.addi %add3A_83, %add3A_84 : i32
      %select_n3A_86 = arith.constant true
      %select_n3A_87 = arith.constant 0 : i32
      %select_n3A_88 = arith.select %select_n3A_86, %add3A_85, %select_n3A_87 : i32
      "tpu.trace_stop"() : () -> ()
      %scan3A = arith.constant 0 : i32
      %scan3A_89 = arith.constant 0 : i32
      %scan3A_90 = arith.constant 0 : i32
      %scan3A_91 = arith.constant 0 : i32
      %scan3A_92 = arith.constant 0 : i32
      %scan3A_93 = arith.constant 0 : i32
      %scan3A_94 = arith.constant 52 : i32
      %scan3A_95 = arith.addi %scan3A_93, %scan3A_94 : i32
      %scan3A_96 = arith.constant 1 : i32
      %scan3A_97:6 = scf.for %scan3A_187 = %scan3A_93 to %scan3A_95 step %scan3A_96 iter_args(%scan3A_188 = %select_n3A_88, %scan3A_189 = %scan3A, %scan3A_190 = %scan3A_89, %scan3A_191 = %scan3A_90, %scan3A_192 = %scan3A_91, %scan3A_193 = %scan3A_92) -> (i32, i32, i32, i32, i32, i32)  : i32 {
        %eq3A_194 = arith.constant 0 : i32
        %eq3A_195 = arith.cmpi eq, %scan3A_187, %eq3A_194 : i32
        %eq3A_196 = arith.constant 51 : i32
        %eq3A_197 = arith.cmpi eq, %scan3A_187, %eq3A_196 : i32
        %add3A_198 = arith.constant 0 : i32
        %add3A_199 = arith.addi %scan3A_192, %add3A_198 : i32
        %add3A_200 = arith.addi %scan3A_193, %mul3A_6 : i32
        %sub3A_201 = arith.constant 1 : i32
        %sub3A_202 = arith.subi %scan3A_193, %sub3A_201 : i32
        %select_n3A_203 = arith.constant true
        %select_n3A_204 = arith.select %select_n3A_203, %sub3A_202, %scan3A_193 : i32
        %eq3A_205 = arith.constant -1 : i32
        %eq3A_206 = arith.cmpi eq, %select_n3A_204, %eq3A_205 : i32
        %select_n3A_207 = arith.constant 1 : i32
        %select_n3A_208 = arith.select %eq3A_206, %select_n3A_207, %select_n3A_204 : i32
        %sub3A_209 = arith.constant 1 : i32
        %sub3A_210 = arith.subi %scan3A_192, %sub3A_209 : i32
        %select_n3A_211 = arith.select %eq3A_206, %sub3A_210, %scan3A_192 : i32
        %eq3A_212 = arith.constant -1 : i32
        %eq3A_213 = arith.cmpi eq, %select_n3A_211, %eq3A_212 : i32
        %select_n3A_214 = arith.constant 25 : i32
        %select_n3A_215 = arith.select %eq3A_213, %select_n3A_214, %select_n3A_211 : i32
        %add3A_216 = arith.constant 0 : i32
        %add3A_217 = arith.addi %select_n3A_215, %add3A_216 : i32
        %add3A_218 = arith.addi %select_n3A_208, %mul3A_6 : i32
        %add3A_219 = arith.constant 1 : i32
        %add3A_220 = arith.addi %scan3A_193, %add3A_219 : i32
        %select_n3A_221 = arith.constant true
        %select_n3A_222 = arith.select %select_n3A_221, %add3A_220, %scan3A_193 : i32
        %eq3A_223 = arith.constant 2 : i32
        %eq3A_224 = arith.cmpi eq, %select_n3A_222, %eq3A_223 : i32
        %select_n3A_225 = arith.constant 0 : i32
        %select_n3A_226 = arith.select %eq3A_224, %select_n3A_225, %select_n3A_222 : i32
        %add3A_227 = arith.constant 1 : i32
        %add3A_228 = arith.addi %scan3A_192, %add3A_227 : i32
        %select_n3A_229 = arith.select %eq3A_224, %add3A_228, %scan3A_192 : i32
        %eq3A_230 = arith.constant 26 : i32
        %eq3A_231 = arith.cmpi eq, %select_n3A_229, %eq3A_230 : i32
        %select_n3A_232 = arith.constant 0 : i32
        %select_n3A_233 = arith.select %eq3A_231, %select_n3A_232, %select_n3A_229 : i32
        %add3A_234 = arith.constant 0 : i32
        %add3A_235 = arith.addi %select_n3A_233, %add3A_234 : i32
        %add3A_236 = arith.addi %select_n3A_226, %mul3A_6 : i32
        %add3A_237 = arith.constant 1 : i32
        %add3A_238 = arith.addi %select_n3A_226, %add3A_237 : i32
        %select_n3A_239 = arith.constant true
        %select_n3A_240 = arith.select %select_n3A_239, %add3A_238, %select_n3A_226 : i32
        %eq3A_241 = arith.constant 2 : i32
        %eq3A_242 = arith.cmpi eq, %select_n3A_240, %eq3A_241 : i32
        %select_n3A_243 = arith.constant 0 : i32
        %select_n3A_244 = arith.select %eq3A_242, %select_n3A_243, %select_n3A_240 : i32
        %add3A_245 = arith.constant 1 : i32
        %add3A_246 = arith.addi %select_n3A_233, %add3A_245 : i32
        %select_n3A_247 = arith.select %eq3A_242, %add3A_246, %select_n3A_233 : i32
        %eq3A_248 = arith.constant 26 : i32
        %eq3A_249 = arith.cmpi eq, %select_n3A_247, %eq3A_248 : i32
        %select_n3A_250 = arith.constant 0 : i32
        %select_n3A_251 = arith.select %eq3A_249, %select_n3A_250, %select_n3A_247 : i32
        %add3A_252 = arith.constant 0 : i32
        %add3A_253 = arith.addi %select_n3A_251, %add3A_252 : i32
        %add3A_254 = arith.addi %select_n3A_244, %mul3A_6 : i32
        %mul3A_255 = arith.constant 64 : i32
        %mul3A_256 = arith.muli %add3A_199, %mul3A_255 : i32
        %add3A_257 = arith.addi %mul3A_256, %add3A_200 : i32
        %mul3A_258 = arith.constant 64 : i32
        %mul3A_259 = arith.muli %add3A_235, %mul3A_258 : i32
        %add3A_260 = arith.addi %mul3A_259, %add3A_236 : i32
        %ne3A = arith.cmpi ne, %add3A_257, %add3A_260 : i32
        %or3A = arith.constant false
        %or3A_261 = arith.ori %or3A, %ne3A : i1
        %ge3A = arith.constant 51 : i32
        %ge3A_262 = arith.cmpi sge, %scan3A_187, %ge3A : i32
        %not3A = arith.constant true
        %not3A_263 = arith.xori %ge3A_262, %not3A : i1
        %and3A = arith.andi %or3A_261, %not3A_263 : i1
        %convert_element_type3A = arith.extui %and3A : i1 to i32
        %cond3A = arith.constant 0 : i32
        %cond3A_264 = arith.cmpi ne, %convert_element_type3A, %cond3A : i32
        scf.if %cond3A_264 {
          "tpu.trace_start"() <{level = 10 : i32, message = "ep_copy_in"}> : () -> ()
          %rem3A_397 = arith.constant 2 : i32
          %rem3A_398 = arith.remui %scan3A_188, %rem3A_397 : i32
          %mul3A_399 = arith.constant 64 : i32
          %mul3A_400 = arith.muli %add3A_235, %mul3A_399 : i32
          %add3A_401 = arith.addi %mul3A_400, %add3A_236 : i32
          %mul3A_402 = arith.constant 128 : i32
          %mul3A_403 = arith.muli %mul3A_402, %add3A_401 : i32
          %dma_start3A_404 = arith.constant 0 : i32
          %dma_start3A_405 = arith.constant 0 : i32
          %dma_start3A_406 = tpu.memref_slice %run_scoped3A[%rem3A_398, %dma_start3A_404, %dma_start3A_405] : memref<2x1x128xi32, #tpu.memory_space<vmem>> -> memref<1x1x128xi32, #tpu.memory_space<vmem>>
          %dma_start3A_407 = tpu.memref_squeeze %dma_start3A_406 : memref<1x1x128xi32, #tpu.memory_space<vmem>> -> memref<1x128xi32, #tpu.memory_space<vmem>>
          %dma_start3A_408 = arith.constant 0 : i32
          %dma_start3A_409 = tpu.memref_slice %arg3[%dma_start3A_408, %mul3A_403] : memref<1x212992xi32, #tpu.memory_space<hbm>> -> memref<1x128xi32, #tpu.memory_space<hbm>>
          %dma_start3A_410 = tpu.memref_slice %run_scoped3A_7[%rem3A_398] : memref<2x!tpu.dma_semaphore, #tpu.memory_space<semaphore_mem>> -> memref<1x!tpu.dma_semaphore, #tpu.memory_space<semaphore_mem>>
          %dma_start3A_411 = tpu.memref_squeeze %dma_start3A_410 : memref<1x!tpu.dma_semaphore, #tpu.memory_space<semaphore_mem>> -> memref<!tpu.dma_semaphore, #tpu.memory_space<semaphore_mem>>
          %dma_start3A_412 = arith.constant 0 : i32
          %dma_start3A_413 = arith.constant 0 : i32
          %dma_start3A_414 = tpu.memref_slice %run_scoped3A[%rem3A_398, %dma_start3A_412, %dma_start3A_413] : memref<2x1x128xi32, #tpu.memory_space<vmem>> -> memref<1x1x128xi32, #tpu.memory_space<vmem>>
          %dma_start3A_415 = tpu.memref_squeeze %dma_start3A_414 : memref<1x1x128xi32, #tpu.memory_space<vmem>> -> memref<1x128xi32, #tpu.memory_space<vmem>>
          %dma_start3A_416 = arith.constant 0 : i32
          %dma_start3A_417 = tpu.memref_slice %arg3[%dma_start3A_416, %mul3A_403] : memref<1x212992xi32, #tpu.memory_space<hbm>> -> memref<1x128xi32, #tpu.memory_space<hbm>>
          tpu.enqueue_dma source(%dma_start3A_417 : memref<1x128xi32, #tpu.memory_space<hbm>>) target(%dma_start3A_415 : memref<1x128xi32, #tpu.memory_space<vmem>>) target_semaphore(%dma_start3A_411 : memref<!tpu.dma_semaphore, #tpu.memory_space<semaphore_mem>>)
          "tpu.trace_stop"() : () -> ()
        } else {
        }
        %and3A_265 = arith.constant true
        %and3A_266 = arith.andi %and3A, %and3A_265 : i1
        %add3A_267 = arith.constant 1 : i32
        %add3A_268 = arith.addi %scan3A_188, %add3A_267 : i32
        %select_n3A_269 = arith.select %and3A_266, %add3A_268, %scan3A_188 : i32
        %ne3A_270 = arith.cmpi ne, %add3A_200, %add3A_236 : i32
        %ne3A_271 = arith.cmpi ne, %add3A_199, %add3A_235 : i32
        %or3A_272 = arith.constant false
        %or3A_273 = arith.ori %or3A_272, %ne3A_270 : i1
        %or3A_274 = arith.ori %or3A_273, %ne3A_271 : i1
        %ge3A_275 = arith.constant 51 : i32
        %ge3A_276 = arith.cmpi sge, %scan3A_187, %ge3A_275 : i32
        %not3A_277 = arith.constant true
        %not3A_278 = arith.xori %ge3A_276, %not3A_277 : i1
        %and3A_279 = arith.andi %or3A_274, %not3A_278 : i1
        %mul3A_280 = arith.constant 64 : i32
        %mul3A_281 = arith.muli %add3A_199, %mul3A_280 : i32
        %add3A_282 = arith.addi %mul3A_281, %add3A_200 : i32
        %mul3A_283 = arith.constant 64 : i32
        %mul3A_284 = arith.muli %add3A_217, %mul3A_283 : i32
        %add3A_285 = arith.addi %mul3A_284, %add3A_218 : i32
        %ne3A_286 = arith.cmpi ne, %add3A_282, %add3A_285 : i32
        %or3A_287 = arith.constant false
        %or3A_288 = arith.ori %or3A_287, %ne3A_286 : i1
        %or3A_289 = arith.ori %or3A_288, %eq3A_195 : i1
        %convert_element_type3A_290 = arith.extui %or3A_289 : i1 to i32
        %cond3A_291 = arith.constant 0 : i32
        %cond3A_292 = arith.cmpi ne, %convert_element_type3A_290, %cond3A_291 : i32
        scf.if %cond3A_292 {
          "tpu.trace_start"() <{level = 10 : i32, message = "ep_wait_in"}> : () -> ()
          %mul3A_397 = arith.constant 64 : i32
          %mul3A_398 = arith.muli %add3A_199, %mul3A_397 : i32
          %add3A_399 = arith.addi %mul3A_398, %add3A_200 : i32
          %mul3A_400 = arith.constant 128 : i32
          %mul3A_401 = arith.muli %mul3A_400, %add3A_399 : i32
          %rem3A_402 = arith.constant 2 : i32
          %rem3A_403 = arith.remui %scan3A_189, %rem3A_402 : i32
          %dma_wait3A_404 = arith.constant 0 : i32
          %dma_wait3A_405 = arith.constant 0 : i32
          %dma_wait3A_406 = tpu.memref_slice %run_scoped3A[%rem3A_403, %dma_wait3A_404, %dma_wait3A_405] : memref<2x1x128xi32, #tpu.memory_space<vmem>> -> memref<1x1x128xi32, #tpu.memory_space<vmem>>
          %dma_wait3A_407 = tpu.memref_squeeze %dma_wait3A_406 : memref<1x1x128xi32, #tpu.memory_space<vmem>> -> memref<1x128xi32, #tpu.memory_space<vmem>>
          %dma_wait3A_408 = arith.constant 0 : i32
          %dma_wait3A_409 = tpu.memref_slice %arg3[%dma_wait3A_408, %mul3A_401] : memref<1x212992xi32, #tpu.memory_space<hbm>> -> memref<1x128xi32, #tpu.memory_space<hbm>>
          %dma_wait3A_410 = tpu.memref_slice %run_scoped3A_7[%rem3A_403] : memref<2x!tpu.dma_semaphore, #tpu.memory_space<semaphore_mem>> -> memref<1x!tpu.dma_semaphore, #tpu.memory_space<semaphore_mem>>
          %dma_wait3A_411 = tpu.memref_squeeze %dma_wait3A_410 : memref<1x!tpu.dma_semaphore, #tpu.memory_space<semaphore_mem>> -> memref<!tpu.dma_semaphore, #tpu.memory_space<semaphore_mem>>
          %dma_wait3A_412 = arith.constant 0 : i32
          %dma_wait3A_413 = arith.constant 0 : i32
          %dma_wait3A_414 = tpu.memref_slice %run_scoped3A[%rem3A_403, %dma_wait3A_412, %dma_wait3A_413] : memref<2x1x128xi32, #tpu.memory_space<vmem>> -> memref<1x1x128xi32, #tpu.memory_space<vmem>>
          %dma_wait3A_415 = tpu.memref_squeeze %dma_wait3A_414 : memref<1x1x128xi32, #tpu.memory_space<vmem>> -> memref<1x128xi32, #tpu.memory_space<vmem>>
          %dma_wait3A_416 = arith.constant 0 : i32
          %dma_wait3A_417 = tpu.memref_slice %arg3[%dma_wait3A_416, %mul3A_401] : memref<1x212992xi32, #tpu.memory_space<hbm>> -> memref<1x128xi32, #tpu.memory_space<hbm>>
          tpu.wait_dma2 semaphore(%dma_wait3A_411 : memref<!tpu.dma_semaphore, #tpu.memory_space<semaphore_mem>>) src(%dma_wait3A_417 : memref<1x128xi32, #tpu.memory_space<hbm>>) dst(%dma_wait3A_415 : memref<1x128xi32, #tpu.memory_space<vmem>>)
          "tpu.trace_stop"() : () -> ()
        } else {
        }
        %ne3A_293 = arith.cmpi ne, %add3A_200, %add3A_218 : i32
        %ne3A_294 = arith.cmpi ne, %add3A_199, %add3A_217 : i32
        %or3A_295 = arith.constant false
        %or3A_296 = arith.ori %or3A_295, %ne3A_293 : i1
        %or3A_297 = arith.ori %or3A_296, %ne3A_294 : i1
        %or3A_298 = arith.ori %or3A_297, %eq3A_195 : i1
        %convert_element_type3A_299 = arith.extui %or3A_298 : i1 to i32
        %cond3A_300 = arith.constant 0 : i32
        %cond3A_301 = arith.cmpi ne, %convert_element_type3A_299, %cond3A_300 : i32
        scf.if %cond3A_301 {
        } else {
        }
        %rem3A_302 = arith.constant 2 : i32
        %rem3A_303 = arith.remui %scan3A_189, %rem3A_302 : i32
        %rem3A_304 = arith.constant 2 : i32
        %rem3A_305 = arith.remui %scan3A_190, %rem3A_304 : i32
        %run_scoped3A_306 = arith.constant 0 : i32
        "tpu.trace_start"() <{level = 10 : i32, message = "ep_run_kernel"}> : () -> ()
        "tpu.region"() ({
          %run_scoped3A_397 = tpu.sem_alloc : memref<!tpu.dma_semaphore, #tpu.memory_space<semaphore_mem>>
          %dma_start3A_398 = arith.constant 0 : i32
          %dma_start3A_399 = arith.constant 0 : i32
          %dma_start3A_400 = tpu.memref_slice %run_scoped3A_8[%rem3A_305, %dma_start3A_398, %dma_start3A_399] : memref<2x128x32xf32, #tpu.memory_space<vmem>> -> memref<1x128x32xf32, #tpu.memory_space<vmem>>
          %dma_start3A_401 = tpu.memref_squeeze %dma_start3A_400 : memref<1x128x32xf32, #tpu.memory_space<vmem>> -> memref<128x32xf32, #tpu.memory_space<vmem>>
          %dma_start3A_402 = arith.constant 0 : i32
          %dma_start3A_403 = arith.constant 0 : i32
          %dma_start3A_404 = tpu.memref_slice %run_scoped3A[%rem3A_303, %dma_start3A_402, %dma_start3A_403] : memref<2x1x128xi32, #tpu.memory_space<vmem>> -> memref<1x1x128xi32, #tpu.memory_space<vmem>>
          %dma_start3A_405 = tpu.memref_squeeze %dma_start3A_404 : memref<1x1x128xi32, #tpu.memory_space<vmem>> -> memref<1x128xi32, #tpu.memory_space<vmem>>
          %dma_start3A_406 = arith.constant 0 : i32
          %dma_start3A_407 = tpu.memref_slice %dma_start3A_405[%run_scoped3A_306, %dma_start3A_406] : memref<1x128xi32, #tpu.memory_space<vmem>> -> memref<1x128xi32, #tpu.memory_space<vmem>>
          %dma_start3A_408 = tpu.memref_squeeze %dma_start3A_407 : memref<1x128xi32, #tpu.memory_space<vmem>> -> memref<128xi32, #tpu.memory_space<vmem>>
          %dma_start3A_409 = arith.constant 0 : i32
          %dma_start3A_410 = arith.constant 0 : i32
          %dma_start3A_411 = tpu.memref_slice %arg2[%dma_start3A_409, %dma_start3A_410] : memref<2600000x32xf32, #tpu.memory_space<hbm>> -> memref<2600000x32xf32, #tpu.memory_space<hbm>>
          tpu.enqueue_indirect_dma source(%dma_start3A_411 : memref<2600000x32xf32, #tpu.memory_space<hbm>>) target(%dma_start3A_401 : memref<128x32xf32, #tpu.memory_space<vmem>>) offsets(%dma_start3A_408 : memref<128xi32, #tpu.memory_space<vmem>>) semaphore(%run_scoped3A_397 : memref<!tpu.dma_semaphore, #tpu.memory_space<semaphore_mem>>)
          %dma_wait3A_412 = arith.constant 0 : i32
          %dma_wait3A_413 = arith.constant 0 : i32
          %dma_wait3A_414 = tpu.memref_slice %run_scoped3A_8[%rem3A_305, %dma_wait3A_412, %dma_wait3A_413] : memref<2x128x32xf32, #tpu.memory_space<vmem>> -> memref<1x128x32xf32, #tpu.memory_space<vmem>>
          %dma_wait3A_415 = tpu.memref_squeeze %dma_wait3A_414 : memref<1x128x32xf32, #tpu.memory_space<vmem>> -> memref<128x32xf32, #tpu.memory_space<vmem>>
          %dma_wait3A_416 = arith.constant 0 : i32
          %dma_wait3A_417 = arith.constant 0 : i32
          %dma_wait3A_418 = tpu.memref_slice %run_scoped3A[%rem3A_303, %dma_wait3A_416, %dma_wait3A_417] : memref<2x1x128xi32, #tpu.memory_space<vmem>> -> memref<1x1x128xi32, #tpu.memory_space<vmem>>
          %dma_wait3A_419 = tpu.memref_squeeze %dma_wait3A_418 : memref<1x1x128xi32, #tpu.memory_space<vmem>> -> memref<1x128xi32, #tpu.memory_space<vmem>>
          %dma_wait3A_420 = arith.constant 0 : i32
          %dma_wait3A_421 = tpu.memref_slice %dma_wait3A_419[%run_scoped3A_306, %dma_wait3A_420] : memref<1x128xi32, #tpu.memory_space<vmem>> -> memref<1x128xi32, #tpu.memory_space<vmem>>
          %dma_wait3A_422 = tpu.memref_squeeze %dma_wait3A_421 : memref<1x128xi32, #tpu.memory_space<vmem>> -> memref<128xi32, #tpu.memory_space<vmem>>
          %dma_wait3A_423 = arith.constant 0 : i32
          %dma_wait3A_424 = arith.constant 0 : i32
          %dma_wait3A_425 = tpu.memref_slice %arg2[%dma_wait3A_423, %dma_wait3A_424] : memref<2600000x32xf32, #tpu.memory_space<hbm>> -> memref<2600000x32xf32, #tpu.memory_space<hbm>>
          tpu.wait_indirect_dma semaphore(%run_scoped3A_397 : memref<!tpu.dma_semaphore, #tpu.memory_space<semaphore_mem>>) src(%dma_wait3A_425 : memref<2600000x32xf32, #tpu.memory_space<hbm>>) dst(%dma_wait3A_415 : memref<128x32xf32, #tpu.memory_space<vmem>>)
          tpu.yield
        }) : () -> ()
        "tpu.trace_stop"() : () -> ()
        %mul3A_307 = arith.constant 64 : i32
        %mul3A_308 = arith.muli %add3A_199, %mul3A_307 : i32
        %add3A_309 = arith.addi %mul3A_308, %add3A_200 : i32
        %mul3A_310 = arith.constant 64 : i32
        %mul3A_311 = arith.muli %add3A_235, %mul3A_310 : i32
        %add3A_312 = arith.addi %mul3A_311, %add3A_236 : i32
        %ne3A_313 = arith.cmpi ne, %add3A_309, %add3A_312 : i32
        %or3A_314 = arith.constant false
        %or3A_315 = arith.ori %or3A_314, %ne3A_313 : i1
        %or3A_316 = arith.ori %or3A_315, %eq3A_197 : i1
        %convert_element_type3A_317 = arith.extui %or3A_316 : i1 to i32
        %cond3A_318 = arith.constant 0 : i32
        %cond3A_319 = arith.cmpi ne, %convert_element_type3A_317, %cond3A_318 : i32
        scf.if %cond3A_319 {
        } else {
        }
        %and3A_320 = arith.constant false
        %and3A_321 = arith.andi %or3A_316, %and3A_320 : i1
        %ne3A_322 = arith.cmpi ne, %add3A_200, %add3A_236 : i32
        %ne3A_323 = arith.cmpi ne, %add3A_199, %add3A_235 : i32
        %or3A_324 = arith.constant false
        %or3A_325 = arith.ori %or3A_324, %ne3A_322 : i1
        %or3A_326 = arith.ori %or3A_325, %ne3A_323 : i1
        %or3A_327 = arith.ori %or3A_326, %eq3A_197 : i1
        %convert_element_type3A_328 = arith.extui %or3A_327 : i1 to i32
        %cond3A_329 = arith.constant 0 : i32
        %cond3A_330 = arith.cmpi ne, %convert_element_type3A_328, %cond3A_329 : i32
        scf.if %cond3A_330 {
          "tpu.trace_start"() <{level = 10 : i32, message = "ep_copy_out"}> : () -> ()
          %rem3A_397 = arith.constant 2 : i32
          %rem3A_398 = arith.remui %scan3A_190, %rem3A_397 : i32
          %mul3A_399 = arith.constant 128 : i32
          %mul3A_400 = arith.muli %mul3A_399, %add3A_200 : i32
          %mul3A_401 = arith.constant 32 : i32
          %mul3A_402 = arith.muli %mul3A_401, %add3A_199 : i32
          %dma_start3A_403 = arith.constant 0 : i32
          %dma_start3A_404 = arith.constant 0 : i32
          %dma_start3A_405 = tpu.memref_slice %run_scoped3A_8[%rem3A_398, %dma_start3A_403, %dma_start3A_404] : memref<2x128x32xf32, #tpu.memory_space<vmem>> -> memref<1x128x32xf32, #tpu.memory_space<vmem>>
          %dma_start3A_406 = tpu.memref_squeeze %dma_start3A_405 : memref<1x128x32xf32, #tpu.memory_space<vmem>> -> memref<128x32xf32, #tpu.memory_space<vmem>>
          %dma_start3A_407 = tpu.memref_slice %arg4[%mul3A_400, %mul3A_402] : memref<8192x832xf32, #tpu.memory_space<hbm>> -> memref<128x32xf32, #tpu.memory_space<hbm>>
          %dma_start3A_408 = tpu.memref_slice %run_scoped3A_9[%rem3A_398] : memref<2x!tpu.dma_semaphore, #tpu.memory_space<semaphore_mem>> -> memref<1x!tpu.dma_semaphore, #tpu.memory_space<semaphore_mem>>
          %dma_start3A_409 = tpu.memref_squeeze %dma_start3A_408 : memref<1x!tpu.dma_semaphore, #tpu.memory_space<semaphore_mem>> -> memref<!tpu.dma_semaphore, #tpu.memory_space<semaphore_mem>>
          %dma_start3A_410 = tpu.memref_slice %arg4[%mul3A_400, %mul3A_402] : memref<8192x832xf32, #tpu.memory_space<hbm>> -> memref<128x32xf32, #tpu.memory_space<hbm>>
          %dma_start3A_411 = arith.constant 0 : i32
          %dma_start3A_412 = arith.constant 0 : i32
          %dma_start3A_413 = tpu.memref_slice %run_scoped3A_8[%rem3A_398, %dma_start3A_411, %dma_start3A_412] : memref<2x128x32xf32, #tpu.memory_space<vmem>> -> memref<1x128x32xf32, #tpu.memory_space<vmem>>
          %dma_start3A_414 = tpu.memref_squeeze %dma_start3A_413 : memref<1x128x32xf32, #tpu.memory_space<vmem>> -> memref<128x32xf32, #tpu.memory_space<vmem>>
          tpu.enqueue_dma source(%dma_start3A_414 : memref<128x32xf32, #tpu.memory_space<vmem>>) target(%dma_start3A_410 : memref<128x32xf32, #tpu.memory_space<hbm>>) target_semaphore(%dma_start3A_409 : memref<!tpu.dma_semaphore, #tpu.memory_space<semaphore_mem>>)
          "tpu.trace_stop"() : () -> ()
        } else {
        }
        %and3A_331 = arith.constant true
        %and3A_332 = arith.andi %or3A_327, %and3A_331 : i1
        %add3A_333 = arith.constant 1 : i32
        %add3A_334 = arith.addi %scan3A_190, %add3A_333 : i32
        %select_n3A_335 = arith.select %and3A_332, %add3A_334, %scan3A_190 : i32
        %mul3A_336 = arith.constant 64 : i32
        %mul3A_337 = arith.muli %add3A_199, %mul3A_336 : i32
        %add3A_338 = arith.addi %mul3A_337, %add3A_200 : i32
        %mul3A_339 = arith.constant 64 : i32
        %mul3A_340 = arith.muli %add3A_217, %mul3A_339 : i32
        %add3A_341 = arith.addi %mul3A_340, %add3A_218 : i32
        %ne3A_342 = arith.cmpi ne, %add3A_338, %add3A_341 : i32
        %or3A_343 = arith.constant false
        %or3A_344 = arith.ori %or3A_343, %ne3A_342 : i1
        %not3A_345 = arith.constant true
        %not3A_346 = arith.xori %eq3A_195, %not3A_345 : i1
        %and3A_347 = arith.andi %or3A_344, %not3A_346 : i1
        %convert_element_type3A_348 = arith.extui %and3A_347 : i1 to i32
        %cond3A_349 = arith.constant 0 : i32
        %cond3A_350 = arith.cmpi ne, %convert_element_type3A_348, %cond3A_349 : i32
        scf.if %cond3A_350 {
        } else {
        }
        %and3A_351 = arith.constant false
        %and3A_352 = arith.andi %and3A_347, %and3A_351 : i1
        %ne3A_353 = arith.cmpi ne, %add3A_200, %add3A_218 : i32
        %ne3A_354 = arith.cmpi ne, %add3A_199, %add3A_217 : i32
        %or3A_355 = arith.constant false
        %or3A_356 = arith.ori %or3A_355, %ne3A_353 : i1
        %or3A_357 = arith.ori %or3A_356, %ne3A_354 : i1
        %not3A_358 = arith.constant true
        %not3A_359 = arith.xori %eq3A_195, %not3A_358 : i1
        %and3A_360 = arith.andi %or3A_357, %not3A_359 : i1
        %convert_element_type3A_361 = arith.extui %and3A_360 : i1 to i32
        %cond3A_362 = arith.constant 0 : i32
        %cond3A_363 = arith.cmpi ne, %convert_element_type3A_361, %cond3A_362 : i32
        scf.if %cond3A_363 {
          "tpu.trace_start"() <{level = 10 : i32, message = "ep_wait_out"}> : () -> ()
          %rem3A_397 = arith.constant 2 : i32
          %rem3A_398 = arith.remui %scan3A_191, %rem3A_397 : i32
          %mul3A_399 = arith.constant 128 : i32
          %mul3A_400 = arith.muli %mul3A_399, %add3A_218 : i32
          %mul3A_401 = arith.constant 32 : i32
          %mul3A_402 = arith.muli %mul3A_401, %add3A_217 : i32
          %dma_wait3A_403 = arith.constant 0 : i32
          %dma_wait3A_404 = arith.constant 0 : i32
          %dma_wait3A_405 = tpu.memref_slice %run_scoped3A_8[%rem3A_398, %dma_wait3A_403, %dma_wait3A_404] : memref<2x128x32xf32, #tpu.memory_space<vmem>> -> memref<1x128x32xf32, #tpu.memory_space<vmem>>
          %dma_wait3A_406 = tpu.memref_squeeze %dma_wait3A_405 : memref<1x128x32xf32, #tpu.memory_space<vmem>> -> memref<128x32xf32, #tpu.memory_space<vmem>>
          %dma_wait3A_407 = tpu.memref_slice %arg4[%mul3A_400, %mul3A_402] : memref<8192x832xf32, #tpu.memory_space<hbm>> -> memref<128x32xf32, #tpu.memory_space<hbm>>
          %dma_wait3A_408 = tpu.memref_slice %run_scoped3A_9[%rem3A_398] : memref<2x!tpu.dma_semaphore, #tpu.memory_space<semaphore_mem>> -> memref<1x!tpu.dma_semaphore, #tpu.memory_space<semaphore_mem>>
          %dma_wait3A_409 = tpu.memref_squeeze %dma_wait3A_408 : memref<1x!tpu.dma_semaphore, #tpu.memory_space<semaphore_mem>> -> memref<!tpu.dma_semaphore, #tpu.memory_space<semaphore_mem>>
          %dma_wait3A_410 = tpu.memref_slice %arg4[%mul3A_400, %mul3A_402] : memref<8192x832xf32, #tpu.memory_space<hbm>> -> memref<128x32xf32, #tpu.memory_space<hbm>>
          %dma_wait3A_411 = arith.constant 0 : i32
          %dma_wait3A_412 = arith.constant 0 : i32
          %dma_wait3A_413 = tpu.memref_slice %run_scoped3A_8[%rem3A_398, %dma_wait3A_411, %dma_wait3A_412] : memref<2x128x32xf32, #tpu.memory_space<vmem>> -> memref<1x128x32xf32, #tpu.memory_space<vmem>>
          %dma_wait3A_414 = tpu.memref_squeeze %dma_wait3A_413 : memref<1x128x32xf32, #tpu.memory_space<vmem>> -> memref<128x32xf32, #tpu.memory_space<vmem>>
          tpu.wait_dma2 semaphore(%dma_wait3A_409 : memref<!tpu.dma_semaphore, #tpu.memory_space<semaphore_mem>>) src(%dma_wait3A_414 : memref<128x32xf32, #tpu.memory_space<vmem>>) dst(%dma_wait3A_410 : memref<128x32xf32, #tpu.memory_space<hbm>>)
          "tpu.trace_stop"() : () -> ()
        } else {
        }
        %and3A_364 = arith.constant true
        %and3A_365 = arith.andi %and3A_360, %and3A_364 : i1
        %add3A_366 = arith.constant 1 : i32
        %add3A_367 = arith.addi %scan3A_191, %add3A_366 : i32
        %select_n3A_368 = arith.select %and3A_365, %add3A_367, %scan3A_191 : i32
        %mul3A_369 = arith.constant 64 : i32
        %mul3A_370 = arith.muli %add3A_199, %mul3A_369 : i32
        %add3A_371 = arith.addi %mul3A_370, %add3A_200 : i32
        %mul3A_372 = arith.constant 64 : i32
        %mul3A_373 = arith.muli %add3A_235, %mul3A_372 : i32
        %add3A_374 = arith.addi %mul3A_373, %add3A_236 : i32
        %ne3A_375 = arith.cmpi ne, %add3A_371, %add3A_374 : i32
        %or3A_376 = arith.constant false
        %or3A_377 = arith.ori %or3A_376, %ne3A_375 : i1
        %or3A_378 = arith.ori %or3A_377, %eq3A_197 : i1
        %add3A_379 = arith.constant 1 : i32
        %add3A_380 = arith.addi %scan3A_189, %add3A_379 : i32
        %select_n3A_381 = arith.select %or3A_378, %add3A_380, %scan3A_189 : i32
        %add3A_382 = arith.constant 1 : i32
        %add3A_383 = arith.addi %scan3A_193, %add3A_382 : i32
        %select_n3A_384 = arith.constant true
        %select_n3A_385 = arith.select %select_n3A_384, %add3A_383, %scan3A_193 : i32
        %eq3A_386 = arith.constant 2 : i32
        %eq3A_387 = arith.cmpi eq, %select_n3A_385, %eq3A_386 : i32
        %select_n3A_388 = arith.constant 0 : i32
        %select_n3A_389 = arith.select %eq3A_387, %select_n3A_388, %select_n3A_385 : i32
        %add3A_390 = arith.constant 1 : i32
        %add3A_391 = arith.addi %scan3A_192, %add3A_390 : i32
        %select_n3A_392 = arith.select %eq3A_387, %add3A_391, %scan3A_192 : i32
        %eq3A_393 = arith.constant 26 : i32
        %eq3A_394 = arith.cmpi eq, %select_n3A_392, %eq3A_393 : i32
        %select_n3A_395 = arith.constant 0 : i32
        %select_n3A_396 = arith.select %eq3A_394, %select_n3A_395, %select_n3A_392 : i32
        scf.yield %select_n3A_269, %select_n3A_381, %select_n3A_335, %select_n3A_368, %select_n3A_396, %select_n3A_389 : i32, i32, i32, i32, i32, i32
      }
      %scan3A_98 = arith.constant 52 : i32
      %sub3A = arith.constant 1 : i32
      %sub3A_99 = arith.subi %scan3A_97#5, %sub3A : i32
      %select_n3A_100 = arith.constant true
      %select_n3A_101 = arith.select %select_n3A_100, %sub3A_99, %scan3A_97#5 : i32
      %eq3A_102 = arith.constant -1 : i32
      %eq3A_103 = arith.cmpi eq, %select_n3A_101, %eq3A_102 : i32
      %select_n3A_104 = arith.constant 1 : i32
      %select_n3A_105 = arith.select %eq3A_103, %select_n3A_104, %select_n3A_101 : i32
      %sub3A_106 = arith.constant 1 : i32
      %sub3A_107 = arith.subi %scan3A_97#4, %sub3A_106 : i32
      %select_n3A_108 = arith.select %eq3A_103, %sub3A_107, %scan3A_97#4 : i32
      %eq3A_109 = arith.constant -1 : i32
      %eq3A_110 = arith.cmpi eq, %select_n3A_108, %eq3A_109 : i32
      %select_n3A_111 = arith.constant 25 : i32
      %select_n3A_112 = arith.select %eq3A_110, %select_n3A_111, %select_n3A_108 : i32
      %add3A_113 = arith.constant 0 : i32
      %add3A_114 = arith.addi %select_n3A_112, %add3A_113 : i32
      %add3A_115 = arith.addi %select_n3A_105, %mul3A_6 : i32
      %sub3A_116 = arith.constant 1 : i32
      %sub3A_117 = arith.subi %select_n3A_105, %sub3A_116 : i32
      %select_n3A_118 = arith.constant true
      %select_n3A_119 = arith.select %select_n3A_118, %sub3A_117, %select_n3A_105 : i32
      %eq3A_120 = arith.constant -1 : i32
      %eq3A_121 = arith.cmpi eq, %select_n3A_119, %eq3A_120 : i32
      %select_n3A_122 = arith.constant 1 : i32
      %select_n3A_123 = arith.select %eq3A_121, %select_n3A_122, %select_n3A_119 : i32
      %sub3A_124 = arith.constant 1 : i32
      %sub3A_125 = arith.subi %select_n3A_112, %sub3A_124 : i32
      %select_n3A_126 = arith.select %eq3A_121, %sub3A_125, %select_n3A_112 : i32
      %eq3A_127 = arith.constant -1 : i32
      %eq3A_128 = arith.cmpi eq, %select_n3A_126, %eq3A_127 : i32
      %select_n3A_129 = arith.constant 25 : i32
      %select_n3A_130 = arith.select %eq3A_128, %select_n3A_129, %select_n3A_126 : i32
      %add3A_131 = arith.constant 0 : i32
      %add3A_132 = arith.addi %select_n3A_130, %add3A_131 : i32
      %add3A_133 = arith.addi %select_n3A_123, %mul3A_6 : i32
      %add3A_134 = arith.constant 1 : i32
      %add3A_135 = arith.addi %select_n3A_105, %add3A_134 : i32
      %select_n3A_136 = arith.constant true
      %select_n3A_137 = arith.select %select_n3A_136, %add3A_135, %select_n3A_105 : i32
      %eq3A_138 = arith.constant 2 : i32
      %eq3A_139 = arith.cmpi eq, %select_n3A_137, %eq3A_138 : i32
      %select_n3A_140 = arith.constant 0 : i32
      %select_n3A_141 = arith.select %eq3A_139, %select_n3A_140, %select_n3A_137 : i32
      %add3A_142 = arith.constant 1 : i32
      %add3A_143 = arith.addi %select_n3A_112, %add3A_142 : i32
      %select_n3A_144 = arith.select %eq3A_139, %add3A_143, %select_n3A_112 : i32
      %eq3A_145 = arith.constant 26 : i32
      %eq3A_146 = arith.cmpi eq, %select_n3A_144, %eq3A_145 : i32
      %select_n3A_147 = arith.constant 0 : i32
      %select_n3A_148 = arith.select %eq3A_146, %select_n3A_147, %select_n3A_144 : i32
      %add3A_149 = arith.constant 0 : i32
      %add3A_150 = arith.addi %select_n3A_148, %add3A_149 : i32
      %add3A_151 = arith.addi %select_n3A_141, %mul3A_6 : i32
      %add3A_152 = arith.constant 1 : i32
      %add3A_153 = arith.addi %select_n3A_141, %add3A_152 : i32
      %select_n3A_154 = arith.constant true
      %select_n3A_155 = arith.select %select_n3A_154, %add3A_153, %select_n3A_141 : i32
      %eq3A_156 = arith.constant 2 : i32
      %eq3A_157 = arith.cmpi eq, %select_n3A_155, %eq3A_156 : i32
      %select_n3A_158 = arith.constant 0 : i32
      %select_n3A_159 = arith.select %eq3A_157, %select_n3A_158, %select_n3A_155 : i32
      %add3A_160 = arith.constant 1 : i32
      %add3A_161 = arith.addi %select_n3A_148, %add3A_160 : i32
      %select_n3A_162 = arith.select %eq3A_157, %add3A_161, %select_n3A_148 : i32
      %eq3A_163 = arith.constant 26 : i32
      %eq3A_164 = arith.cmpi eq, %select_n3A_162, %eq3A_163 : i32
      %select_n3A_165 = arith.constant 0 : i32
      %select_n3A_166 = arith.select %eq3A_164, %select_n3A_165, %select_n3A_162 : i32
      %add3A_167 = arith.constant 0 : i32
      %add3A_168 = arith.addi %select_n3A_166, %add3A_167 : i32
      %add3A_169 = arith.addi %select_n3A_159, %mul3A_6 : i32
      "tpu.trace_start"() <{level = 10 : i32, message = "ep_finalize"}> : () -> ()
      %rem3A_170 = arith.constant 2 : i32
      %rem3A_171 = arith.remui %scan3A_97#3, %rem3A_170 : i32
      %mul3A_172 = arith.constant 128 : i32
      %mul3A_173 = arith.muli %mul3A_172, %add3A_115 : i32
      %mul3A_174 = arith.constant 32 : i32
      %mul3A_175 = arith.muli %mul3A_174, %add3A_114 : i32
      %dma_wait3A = arith.constant 0 : i32
      %dma_wait3A_176 = arith.constant 0 : i32
      %dma_wait3A_177 = tpu.memref_slice %run_scoped3A_8[%rem3A_171, %dma_wait3A, %dma_wait3A_176] : memref<2x128x32xf32, #tpu.memory_space<vmem>> -> memref<1x128x32xf32, #tpu.memory_space<vmem>>
      %dma_wait3A_178 = tpu.memref_squeeze %dma_wait3A_177 : memref<1x128x32xf32, #tpu.memory_space<vmem>> -> memref<128x32xf32, #tpu.memory_space<vmem>>
      %dma_wait3A_179 = tpu.memref_slice %arg4[%mul3A_173, %mul3A_175] : memref<8192x832xf32, #tpu.memory_space<hbm>> -> memref<128x32xf32, #tpu.memory_space<hbm>>
      %dma_wait3A_180 = tpu.memref_slice %run_scoped3A_9[%rem3A_171] : memref<2x!tpu.dma_semaphore, #tpu.memory_space<semaphore_mem>> -> memref<1x!tpu.dma_semaphore, #tpu.memory_space<semaphore_mem>>
      %dma_wait3A_181 = tpu.memref_squeeze %dma_wait3A_180 : memref<1x!tpu.dma_semaphore, #tpu.memory_space<semaphore_mem>> -> memref<!tpu.dma_semaphore, #tpu.memory_space<semaphore_mem>>
      %dma_wait3A_182 = tpu.memref_slice %arg4[%mul3A_173, %mul3A_175] : memref<8192x832xf32, #tpu.memory_space<hbm>> -> memref<128x32xf32, #tpu.memory_space<hbm>>
      %dma_wait3A_183 = arith.constant 0 : i32
      %dma_wait3A_184 = arith.constant 0 : i32
      %dma_wait3A_185 = tpu.memref_slice %run_scoped3A_8[%rem3A_171, %dma_wait3A_183, %dma_wait3A_184] : memref<2x128x32xf32, #tpu.memory_space<vmem>> -> memref<1x128x32xf32, #tpu.memory_space<vmem>>
      %dma_wait3A_186 = tpu.memref_squeeze %dma_wait3A_185 : memref<1x128x32xf32, #tpu.memory_space<vmem>> -> memref<128x32xf32, #tpu.memory_space<vmem>>
      tpu.wait_dma2 semaphore(%dma_wait3A_181 : memref<!tpu.dma_semaphore, #tpu.memory_space<semaphore_mem>>) src(%dma_wait3A_186 : memref<128x32xf32, #tpu.memory_space<vmem>>) dst(%dma_wait3A_182 : memref<128x32xf32, #tpu.memory_space<hbm>>)
      "tpu.trace_stop"() : () -> ()
      tpu.yield
    }) : () -> ()
    return
  }
}

#map = affine_map<(d0, d1) -> (0, 0)>
module attributes {stable_mosaic.version = 14 : i64} {
  func.func @gather_kernel(%arg0: i32, %arg1: i32, %arg2: memref<2600000x32xf32, #tpu.memory_space<hbm>>, %arg3: memref<1x212992xi32, #tpu.memory_space<hbm>>, %arg4: memref<8192x832xf32, #tpu.memory_space<hbm>>) attributes {dimension_semantics = [#tpu.dimension_semantics<core_parallel>, #tpu.dimension_semantics<subcore_parallel>], iteration_bounds = array<i64: 2, 16>, scalar_prefetch = 0 : i64, scratch_operands = 0 : i64, tpu.core_type = #tpu.core_type<sc_vector_subcore>, window_params = [{transform_indices = #map}, {transform_indices = #map}, {transform_indices = #map}]} {
    %mul3A = arith.constant 1 : i32
    %mul3A_0 = arith.muli %arg1, %mul3A : i32
    %add3A = arith.constant 0 : i32
    %add3A_1 = arith.addi %add3A, %mul3A_0 : i32
    %mul3A_2 = arith.constant 16 : i32
    %mul3A_3 = arith.muli %arg0, %mul3A_2 : i32
    %add3A_4 = arith.addi %add3A_1, %mul3A_3 : i32
    %mul3A_5 = arith.constant 2 : i32
    %mul3A_6 = arith.muli %add3A_4, %mul3A_5 : i32
    "tpu.region"() ({
      %run_scoped3A = memref.alloca() : memref<2x1x128xi32, #tpu.memory_space<vmem>>
      %run_scoped3A_7 = tpu.sem_alloc : memref<2x!tpu.dma_semaphore, #tpu.memory_space<semaphore_mem>>
      %run_scoped3A_8 = memref.alloca() : memref<2x128x32xf32, #tpu.memory_space<vmem>>
      %run_scoped3A_9 = tpu.sem_alloc : memref<2x!tpu.dma_semaphore, #tpu.memory_space<semaphore_mem>>
      %add3A_10 = arith.constant 0 : i32
      %add3A_11 = arith.addi %add3A_10, %mul3A_6 : i32
      %select_n3A = arith.constant true
      %select_n3A_12 = arith.constant 0 : i32
      %select_n3A_13 = arith.constant -1 : i32
      %select_n3A_14 = arith.select %select_n3A, %select_n3A_13, %select_n3A_12 : i32
      %eq3A = arith.constant -1 : i32
      %eq3A_15 = arith.cmpi eq, %select_n3A_14, %eq3A : i32
      %select_n3A_16 = arith.constant 1 : i32
      %select_n3A_17 = arith.select %eq3A_15, %select_n3A_16, %select_n3A_14 : i32
      %select_n3A_18 = arith.constant 0 : i32
      %select_n3A_19 = arith.constant -1 : i32
      %select_n3A_20 = arith.select %eq3A_15, %select_n3A_19, %select_n3A_18 : i32
      %eq3A_21 = arith.constant -1 : i32
      %eq3A_22 = arith.cmpi eq, %select_n3A_20, %eq3A_21 : i32
      %select_n3A_23 = arith.constant 25 : i32
      %select_n3A_24 = arith.select %eq3A_22, %select_n3A_23, %select_n3A_20 : i32
      %add3A_25 = arith.constant 0 : i32
      %add3A_26 = arith.addi %select_n3A_24, %add3A_25 : i32
      %add3A_27 = arith.addi %select_n3A_17, %mul3A_6 : i32
      %select_n3A_28 = arith.constant true
      %select_n3A_29 = arith.constant 0 : i32
      %select_n3A_30 = arith.constant 1 : i32
      %select_n3A_31 = arith.select %select_n3A_28, %select_n3A_30, %select_n3A_29 : i32
      %eq3A_32 = arith.constant 2 : i32
      %eq3A_33 = arith.cmpi eq, %select_n3A_31, %eq3A_32 : i32
      %select_n3A_34 = arith.constant 0 : i32
      %select_n3A_35 = arith.select %eq3A_33, %select_n3A_34, %select_n3A_31 : i32
      %select_n3A_36 = arith.constant 0 : i32
      %select_n3A_37 = arith.constant 1 : i32
      %select_n3A_38 = arith.select %eq3A_33, %select_n3A_37, %select_n3A_36 : i32
      %eq3A_39 = arith.constant 26 : i32
      %eq3A_40 = arith.cmpi eq, %select_n3A_38, %eq3A_39 : i32
      %select_n3A_41 = arith.constant 0 : i32
      %select_n3A_42 = arith.select %eq3A_40, %select_n3A_41, %select_n3A_38 : i32
      %add3A_43 = arith.constant 0 : i32
      %add3A_44 = arith.addi %select_n3A_42, %add3A_43 : i32
      %add3A_45 = arith.addi %select_n3A_35, %mul3A_6 : i32
      %add3A_46 = arith.constant 1 : i32
      %add3A_47 = arith.addi %select_n3A_35, %add3A_46 : i32
      %select_n3A_48 = arith.constant true
      %select_n3A_49 = arith.select %select_n3A_48, %add3A_47, %select_n3A_35 : i32
      %eq3A_50 = arith.constant 2 : i32
      %eq3A_51 = arith.cmpi eq, %select_n3A_49, %eq3A_50 : i32
      %select_n3A_52 = arith.constant 0 : i32
      %select_n3A_53 = arith.select %eq3A_51, %select_n3A_52, %select_n3A_49 : i32
      %add3A_54 = arith.constant 1 : i32
      %add3A_55 = arith.addi %select_n3A_42, %add3A_54 : i32
      %select_n3A_56 = arith.select %eq3A_51, %add3A_55, %select_n3A_42 : i32
      %eq3A_57 = arith.constant 26 : i32
      %eq3A_58 = arith.cmpi eq, %select_n3A_56, %eq3A_57 : i32
      %select_n3A_59 = arith.constant 0 : i32
      %select_n3A_60 = arith.select %eq3A_58, %select_n3A_59, %select_n3A_56 : i32
      %add3A_61 = arith.constant 0 : i32
      %add3A_62 = arith.addi %select_n3A_60, %add3A_61 : i32
      %add3A_63 = arith.addi %select_n3A_53, %mul3A_6 : i32
      "tpu.trace_start"() <{level = 10 : i32, message = "ep_initialize_0"}> : () -> ()
      %rem3A = arith.constant 0 : i32
      %rem3A_64 = arith.constant 2 : i32
      %rem3A_65 = arith.remui %rem3A, %rem3A_64 : i32
      %add3A_66 = arith.constant 0 : i32
      %add3A_67 = arith.addi %add3A_66, %add3A_11 : i32
      %mul3A_68 = arith.constant 128 : i32
      %mul3A_69 = arith.muli %mul3A_68, %add3A_67 : i32
      %dma_start3A = arith.constant 0 : i32
      %dma_start3A_70 = arith.constant 0 : i32
      %dma_start3A_71 = tpu.memref_slice %run_scoped3A[%rem3A_65, %dma_start3A, %dma_start3A_70] : memref<2x1x128xi32, #tpu.memory_space<vmem>> -> memref<1x1x128xi32, #tpu.memory_space<vmem>>
      %dma_start3A_72 = tpu.memref_squeeze %dma_start3A_71 : memref<1x1x128xi32, #tpu.memory_space<vmem>> -> memref<1x128xi32, #tpu.memory_space<vmem>>
      %dma_start3A_73 = arith.constant 0 : i32
      %dma_start3A_74 = tpu.memref_slice %arg3[%dma_start3A_73, %mul3A_69] : memref<1x212992xi32, #tpu.memory_space<hbm>> -> memref<1x128xi32, #tpu.memory_space<hbm>>
      %dma_start3A_75 = tpu.memref_slice %run_scoped3A_7[%rem3A_65] : memref<2x!tpu.dma_semaphore, #tpu.memory_space<semaphore_mem>> -> memref<1x!tpu.dma_semaphore, #tpu.memory_space<semaphore_mem>>
      %dma_start3A_76 = tpu.memref_squeeze %dma_start3A_75 : memref<1x!tpu.dma_semaphore, #tpu.memory_space<semaphore_mem>> -> memref<!tpu.dma_semaphore, #tpu.memory_space<semaphore_mem>>
      %dma_start3A_77 = arith.constant 0 : i32
      %dma_start3A_78 = arith.constant 0 : i32
      %dma_start3A_79 = tpu.memref_slice %run_scoped3A[%rem3A_65, %dma_start3A_77, %dma_start3A_78] : memref<2x1x128xi32, #tpu.memory_space<vmem>> -> memref<1x1x128xi32, #tpu.memory_space<vmem>>
      %dma_start3A_80 = tpu.memref_squeeze %dma_start3A_79 : memref<1x1x128xi32, #tpu.memory_space<vmem>> -> memref<1x128xi32, #tpu.memory_space<vmem>>
      %dma_start3A_81 = arith.constant 0 : i32
      %dma_start3A_82 = tpu.memref_slice %arg3[%dma_start3A_81, %mul3A_69] : memref<1x212992xi32, #tpu.memory_space<hbm>> -> memref<1x128xi32, #tpu.memory_space<hbm>>
      tpu.enqueue_dma source(%dma_start3A_82 : memref<1x128xi32, #tpu.memory_space<hbm>>) target(%dma_start3A_80 : memref<1x128xi32, #tpu.memory_space<vmem>>) target_semaphore(%dma_start3A_76 : memref<!tpu.dma_semaphore, #tpu.memory_space<semaphore_mem>>)
      %add3A_83 = arith.constant 0 : i32
      %add3A_84 = arith.constant 1 : i32
      %add3A_85 = arith.addi %add3A_83, %add3A_84 : i32
      %select_n3A_86 = arith.constant true
      %select_n3A_87 = arith.constant 0 : i32
      %select_n3A_88 = arith.select %select_n3A_86, %add3A_85, %select_n3A_87 : i32
      "tpu.trace_stop"() : () -> ()
      %scan3A = arith.constant 0 : i32
      %scan3A_89 = arith.constant 0 : i32
      %scan3A_90 = arith.constant 0 : i32
      %scan3A_91 = arith.constant 0 : i32
      %scan3A_92 = arith.constant 0 : i32
      %scan3A_93 = arith.constant 0 : i32
      %scan3A_94 = arith.constant 52 : i32
      %scan3A_95 = arith.addi %scan3A_93, %scan3A_94 : i32
      %scan3A_96 = arith.constant 1 : i32
      %scan3A_97:6 = scf.for %scan3A_187 = %scan3A_93 to %scan3A_95 step %scan3A_96 iter_args(%scan3A_188 = %select_n3A_88, %scan3A_189 = %scan3A, %scan3A_190 = %scan3A_89, %scan3A_191 = %scan3A_90, %scan3A_192 = %scan3A_91, %scan3A_193 = %scan3A_92) -> (i32, i32, i32, i32, i32, i32)  : i32 {
        %eq3A_194 = arith.constant 0 : i32
        %eq3A_195 = arith.cmpi eq, %scan3A_187, %eq3A_194 : i32
        %eq3A_196 = arith.constant 51 : i32
        %eq3A_197 = arith.cmpi eq, %scan3A_187, %eq3A_196 : i32
        %add3A_198 = arith.constant 0 : i32
        %add3A_199 = arith.addi %scan3A_192, %add3A_198 : i32
        %add3A_200 = arith.addi %scan3A_193, %mul3A_6 : i32
        %sub3A_201 = arith.constant 1 : i32
        %sub3A_202 = arith.subi %scan3A_193, %sub3A_201 : i32
        %select_n3A_203 = arith.constant true
        %select_n3A_204 = arith.select %select_n3A_203, %sub3A_202, %scan3A_193 : i32
        %eq3A_205 = arith.constant -1 : i32
        %eq3A_206 = arith.cmpi eq, %select_n3A_204, %eq3A_205 : i32
        %select_n3A_207 = arith.constant 1 : i32
        %select_n3A_208 = arith.select %eq3A_206, %select_n3A_207, %select_n3A_204 : i32
        %sub3A_209 = arith.constant 1 : i32
        %sub3A_210 = arith.subi %scan3A_192, %sub3A_209 : i32
        %select_n3A_211 = arith.select %eq3A_206, %sub3A_210, %scan3A_192 : i32
        %eq3A_212 = arith.constant -1 : i32
        %eq3A_213 = arith.cmpi eq, %select_n3A_211, %eq3A_212 : i32
        %select_n3A_214 = arith.constant 25 : i32
        %select_n3A_215 = arith.select %eq3A_213, %select_n3A_214, %select_n3A_211 : i32
        %add3A_216 = arith.constant 0 : i32
        %add3A_217 = arith.addi %select_n3A_215, %add3A_216 : i32
        %add3A_218 = arith.addi %select_n3A_208, %mul3A_6 : i32
        %add3A_219 = arith.constant 1 : i32
        %add3A_220 = arith.addi %scan3A_193, %add3A_219 : i32
        %select_n3A_221 = arith.constant true
        %select_n3A_222 = arith.select %select_n3A_221, %add3A_220, %scan3A_193 : i32
        %eq3A_223 = arith.constant 2 : i32
        %eq3A_224 = arith.cmpi eq, %select_n3A_222, %eq3A_223 : i32
        %select_n3A_225 = arith.constant 0 : i32
        %select_n3A_226 = arith.select %eq3A_224, %select_n3A_225, %select_n3A_222 : i32
        %add3A_227 = arith.constant 1 : i32
        %add3A_228 = arith.addi %scan3A_192, %add3A_227 : i32
        %select_n3A_229 = arith.select %eq3A_224, %add3A_228, %scan3A_192 : i32
        %eq3A_230 = arith.constant 26 : i32
        %eq3A_231 = arith.cmpi eq, %select_n3A_229, %eq3A_230 : i32
        %select_n3A_232 = arith.constant 0 : i32
        %select_n3A_233 = arith.select %eq3A_231, %select_n3A_232, %select_n3A_229 : i32
        %add3A_234 = arith.constant 0 : i32
        %add3A_235 = arith.addi %select_n3A_233, %add3A_234 : i32
        %add3A_236 = arith.addi %select_n3A_226, %mul3A_6 : i32
        %add3A_237 = arith.constant 1 : i32
        %add3A_238 = arith.addi %select_n3A_226, %add3A_237 : i32
        %select_n3A_239 = arith.constant true
        %select_n3A_240 = arith.select %select_n3A_239, %add3A_238, %select_n3A_226 : i32
        %eq3A_241 = arith.constant 2 : i32
        %eq3A_242 = arith.cmpi eq, %select_n3A_240, %eq3A_241 : i32
        %select_n3A_243 = arith.constant 0 : i32
        %select_n3A_244 = arith.select %eq3A_242, %select_n3A_243, %select_n3A_240 : i32
        %add3A_245 = arith.constant 1 : i32
        %add3A_246 = arith.addi %select_n3A_233, %add3A_245 : i32
        %select_n3A_247 = arith.select %eq3A_242, %add3A_246, %select_n3A_233 : i32
        %eq3A_248 = arith.constant 26 : i32
        %eq3A_249 = arith.cmpi eq, %select_n3A_247, %eq3A_248 : i32
        %select_n3A_250 = arith.constant 0 : i32
        %select_n3A_251 = arith.select %eq3A_249, %select_n3A_250, %select_n3A_247 : i32
        %add3A_252 = arith.constant 0 : i32
        %add3A_253 = arith.addi %select_n3A_251, %add3A_252 : i32
        %add3A_254 = arith.addi %select_n3A_244, %mul3A_6 : i32
        %mul3A_255 = arith.constant 64 : i32
        %mul3A_256 = arith.muli %add3A_199, %mul3A_255 : i32
        %add3A_257 = arith.addi %mul3A_256, %add3A_200 : i32
        %mul3A_258 = arith.constant 64 : i32
        %mul3A_259 = arith.muli %add3A_235, %mul3A_258 : i32
        %add3A_260 = arith.addi %mul3A_259, %add3A_236 : i32
        %ne3A = arith.cmpi ne, %add3A_257, %add3A_260 : i32
        %or3A = arith.constant false
        %or3A_261 = arith.ori %or3A, %ne3A : i1
        %ge3A = arith.constant 51 : i32
        %ge3A_262 = arith.cmpi sge, %scan3A_187, %ge3A : i32
        %not3A = arith.constant true
        %not3A_263 = arith.xori %ge3A_262, %not3A : i1
        %and3A = arith.andi %or3A_261, %not3A_263 : i1
        %convert_element_type3A = arith.extui %and3A : i1 to i32
        %cond3A = arith.constant 0 : i32
        %cond3A_264 = arith.cmpi ne, %convert_element_type3A, %cond3A : i32
        scf.if %cond3A_264 {
          "tpu.trace_start"() <{level = 10 : i32, message = "ep_copy_in"}> : () -> ()
          %rem3A_397 = arith.constant 2 : i32
          %rem3A_398 = arith.remui %scan3A_188, %rem3A_397 : i32
          %mul3A_399 = arith.constant 64 : i32
          %mul3A_400 = arith.muli %add3A_235, %mul3A_399 : i32
          %add3A_401 = arith.addi %mul3A_400, %add3A_236 : i32
          %mul3A_402 = arith.constant 128 : i32
          %mul3A_403 = arith.muli %mul3A_402, %add3A_401 : i32
          %dma_start3A_404 = arith.constant 0 : i32
          %dma_start3A_405 = arith.constant 0 : i32
          %dma_start3A_406 = tpu.memref_slice %run_scoped3A[%rem3A_398, %dma_start3A_404, %dma_start3A_405] : memref<2x1x128xi32, #tpu.memory_space<vmem>> -> memref<1x1x128xi32, #tpu.memory_space<vmem>>
          %dma_start3A_407 = tpu.memref_squeeze %dma_start3A_406 : memref<1x1x128xi32, #tpu.memory_space<vmem>> -> memref<1x128xi32, #tpu.memory_space<vmem>>
          %dma_start3A_408 = arith.constant 0 : i32
          %dma_start3A_409 = tpu.memref_slice %arg3[%dma_start3A_408, %mul3A_403] : memref<1x212992xi32, #tpu.memory_space<hbm>> -> memref<1x128xi32, #tpu.memory_space<hbm>>
          %dma_start3A_410 = tpu.memref_slice %run_scoped3A_7[%rem3A_398] : memref<2x!tpu.dma_semaphore, #tpu.memory_space<semaphore_mem>> -> memref<1x!tpu.dma_semaphore, #tpu.memory_space<semaphore_mem>>
          %dma_start3A_411 = tpu.memref_squeeze %dma_start3A_410 : memref<1x!tpu.dma_semaphore, #tpu.memory_space<semaphore_mem>> -> memref<!tpu.dma_semaphore, #tpu.memory_space<semaphore_mem>>
          %dma_start3A_412 = arith.constant 0 : i32
          %dma_start3A_413 = arith.constant 0 : i32
          %dma_start3A_414 = tpu.memref_slice %run_scoped3A[%rem3A_398, %dma_start3A_412, %dma_start3A_413] : memref<2x1x128xi32, #tpu.memory_space<vmem>> -> memref<1x1x128xi32, #tpu.memory_space<vmem>>
          %dma_start3A_415 = tpu.memref_squeeze %dma_start3A_414 : memref<1x1x128xi32, #tpu.memory_space<vmem>> -> memref<1x128xi32, #tpu.memory_space<vmem>>
          %dma_start3A_416 = arith.constant 0 : i32
          %dma_start3A_417 = tpu.memref_slice %arg3[%dma_start3A_416, %mul3A_403] : memref<1x212992xi32, #tpu.memory_space<hbm>> -> memref<1x128xi32, #tpu.memory_space<hbm>>
          tpu.enqueue_dma source(%dma_start3A_417 : memref<1x128xi32, #tpu.memory_space<hbm>>) target(%dma_start3A_415 : memref<1x128xi32, #tpu.memory_space<vmem>>) target_semaphore(%dma_start3A_411 : memref<!tpu.dma_semaphore, #tpu.memory_space<semaphore_mem>>)
          "tpu.trace_stop"() : () -> ()
        } else {
        }
        %and3A_265 = arith.constant true
        %and3A_266 = arith.andi %and3A, %and3A_265 : i1
        %add3A_267 = arith.constant 1 : i32
        %add3A_268 = arith.addi %scan3A_188, %add3A_267 : i32
        %select_n3A_269 = arith.select %and3A_266, %add3A_268, %scan3A_188 : i32
        %ne3A_270 = arith.cmpi ne, %add3A_200, %add3A_236 : i32
        %ne3A_271 = arith.cmpi ne, %add3A_199, %add3A_235 : i32
        %or3A_272 = arith.constant false
        %or3A_273 = arith.ori %or3A_272, %ne3A_270 : i1
        %or3A_274 = arith.ori %or3A_273, %ne3A_271 : i1
        %ge3A_275 = arith.constant 51 : i32
        %ge3A_276 = arith.cmpi sge, %scan3A_187, %ge3A_275 : i32
        %not3A_277 = arith.constant true
        %not3A_278 = arith.xori %ge3A_276, %not3A_277 : i1
        %and3A_279 = arith.andi %or3A_274, %not3A_278 : i1
        %mul3A_280 = arith.constant 64 : i32
        %mul3A_281 = arith.muli %add3A_199, %mul3A_280 : i32
        %add3A_282 = arith.addi %mul3A_281, %add3A_200 : i32
        %mul3A_283 = arith.constant 64 : i32
        %mul3A_284 = arith.muli %add3A_217, %mul3A_283 : i32
        %add3A_285 = arith.addi %mul3A_284, %add3A_218 : i32
        %ne3A_286 = arith.cmpi ne, %add3A_282, %add3A_285 : i32
        %or3A_287 = arith.constant false
        %or3A_288 = arith.ori %or3A_287, %ne3A_286 : i1
        %or3A_289 = arith.ori %or3A_288, %eq3A_195 : i1
        %convert_element_type3A_290 = arith.extui %or3A_289 : i1 to i32
        %cond3A_291 = arith.constant 0 : i32
        %cond3A_292 = arith.cmpi ne, %convert_element_type3A_290, %cond3A_291 : i32
        scf.if %cond3A_292 {
          "tpu.trace_start"() <{level = 10 : i32, message = "ep_wait_in"}> : () -> ()
          %mul3A_397 = arith.constant 64 : i32
          %mul3A_398 = arith.muli %add3A_199, %mul3A_397 : i32
          %add3A_399 = arith.addi %mul3A_398, %add3A_200 : i32
          %mul3A_400 = arith.constant 128 : i32
          %mul3A_401 = arith.muli %mul3A_400, %add3A_399 : i32
          %rem3A_402 = arith.constant 2 : i32
          %rem3A_403 = arith.remui %scan3A_189, %rem3A_402 : i32
          %dma_wait3A_404 = arith.constant 0 : i32
          %dma_wait3A_405 = arith.constant 0 : i32
          %dma_wait3A_406 = tpu.memref_slice %run_scoped3A[%rem3A_403, %dma_wait3A_404, %dma_wait3A_405] : memref<2x1x128xi32, #tpu.memory_space<vmem>> -> memref<1x1x128xi32, #tpu.memory_space<vmem>>
          %dma_wait3A_407 = tpu.memref_squeeze %dma_wait3A_406 : memref<1x1x128xi32, #tpu.memory_space<vmem>> -> memref<1x128xi32, #tpu.memory_space<vmem>>
          %dma_wait3A_408 = arith.constant 0 : i32
          %dma_wait3A_409 = tpu.memref_slice %arg3[%dma_wait3A_408, %mul3A_401] : memref<1x212992xi32, #tpu.memory_space<hbm>> -> memref<1x128xi32, #tpu.memory_space<hbm>>
          %dma_wait3A_410 = tpu.memref_slice %run_scoped3A_7[%rem3A_403] : memref<2x!tpu.dma_semaphore, #tpu.memory_space<semaphore_mem>> -> memref<1x!tpu.dma_semaphore, #tpu.memory_space<semaphore_mem>>
          %dma_wait3A_411 = tpu.memref_squeeze %dma_wait3A_410 : memref<1x!tpu.dma_semaphore, #tpu.memory_space<semaphore_mem>> -> memref<!tpu.dma_semaphore, #tpu.memory_space<semaphore_mem>>
          %dma_wait3A_412 = arith.constant 0 : i32
          %dma_wait3A_413 = arith.constant 0 : i32
          %dma_wait3A_414 = tpu.memref_slice %run_scoped3A[%rem3A_403, %dma_wait3A_412, %dma_wait3A_413] : memref<2x1x128xi32, #tpu.memory_space<vmem>> -> memref<1x1x128xi32, #tpu.memory_space<vmem>>
          %dma_wait3A_415 = tpu.memref_squeeze %dma_wait3A_414 : memref<1x1x128xi32, #tpu.memory_space<vmem>> -> memref<1x128xi32, #tpu.memory_space<vmem>>
          %dma_wait3A_416 = arith.constant 0 : i32
          %dma_wait3A_417 = tpu.memref_slice %arg3[%dma_wait3A_416, %mul3A_401] : memref<1x212992xi32, #tpu.memory_space<hbm>> -> memref<1x128xi32, #tpu.memory_space<hbm>>
          tpu.wait_dma2 semaphore(%dma_wait3A_411 : memref<!tpu.dma_semaphore, #tpu.memory_space<semaphore_mem>>) src(%dma_wait3A_417 : memref<1x128xi32, #tpu.memory_space<hbm>>) dst(%dma_wait3A_415 : memref<1x128xi32, #tpu.memory_space<vmem>>)
          "tpu.trace_stop"() : () -> ()
        } else {
        }
        %ne3A_293 = arith.cmpi ne, %add3A_200, %add3A_218 : i32
        %ne3A_294 = arith.cmpi ne, %add3A_199, %add3A_217 : i32
        %or3A_295 = arith.constant false
        %or3A_296 = arith.ori %or3A_295, %ne3A_293 : i1
        %or3A_297 = arith.ori %or3A_296, %ne3A_294 : i1
        %or3A_298 = arith.ori %or3A_297, %eq3A_195 : i1
        %convert_element_type3A_299 = arith.extui %or3A_298 : i1 to i32
        %cond3A_300 = arith.constant 0 : i32
        %cond3A_301 = arith.cmpi ne, %convert_element_type3A_299, %cond3A_300 : i32
        scf.if %cond3A_301 {
        } else {
        }
        %rem3A_302 = arith.constant 2 : i32
        %rem3A_303 = arith.remui %scan3A_189, %rem3A_302 : i32
        %rem3A_304 = arith.constant 2 : i32
        %rem3A_305 = arith.remui %scan3A_190, %rem3A_304 : i32
        %run_scoped3A_306 = arith.constant 0 : i32
        "tpu.trace_start"() <{level = 10 : i32, message = "ep_run_kernel"}> : () -> ()
        "tpu.region"() ({
          %run_scoped3A_397 = tpu.sem_alloc : memref<!tpu.dma_semaphore, #tpu.memory_space<semaphore_mem>>
          %dma_start3A_398 = arith.constant 0 : i32
          %dma_start3A_399 = arith.constant 0 : i32
          %dma_start3A_400 = tpu.memref_slice %run_scoped3A_8[%rem3A_305, %dma_start3A_398, %dma_start3A_399] : memref<2x128x32xf32, #tpu.memory_space<vmem>> -> memref<1x128x32xf32, #tpu.memory_space<vmem>>
          %dma_start3A_401 = tpu.memref_squeeze %dma_start3A_400 : memref<1x128x32xf32, #tpu.memory_space<vmem>> -> memref<128x32xf32, #tpu.memory_space<vmem>>
          %dma_start3A_402 = arith.constant 0 : i32
          %dma_start3A_403 = arith.constant 0 : i32
          %dma_start3A_404 = tpu.memref_slice %run_scoped3A[%rem3A_303, %dma_start3A_402, %dma_start3A_403] : memref<2x1x128xi32, #tpu.memory_space<vmem>> -> memref<1x1x128xi32, #tpu.memory_space<vmem>>
          %dma_start3A_405 = tpu.memref_squeeze %dma_start3A_404 : memref<1x1x128xi32, #tpu.memory_space<vmem>> -> memref<1x128xi32, #tpu.memory_space<vmem>>
          %dma_start3A_406 = arith.constant 0 : i32
          %dma_start3A_407 = tpu.memref_slice %dma_start3A_405[%run_scoped3A_306, %dma_start3A_406] : memref<1x128xi32, #tpu.memory_space<vmem>> -> memref<1x128xi32, #tpu.memory_space<vmem>>
          %dma_start3A_408 = tpu.memref_squeeze %dma_start3A_407 : memref<1x128xi32, #tpu.memory_space<vmem>> -> memref<128xi32, #tpu.memory_space<vmem>>
          %dma_start3A_409 = arith.constant 0 : i32
          %dma_start3A_410 = arith.constant 0 : i32
          %dma_start3A_411 = tpu.memref_slice %arg2[%dma_start3A_409, %dma_start3A_410] : memref<2600000x32xf32, #tpu.memory_space<hbm>> -> memref<2600000x32xf32, #tpu.memory_space<hbm>>
          tpu.enqueue_indirect_dma source(%dma_start3A_411 : memref<2600000x32xf32, #tpu.memory_space<hbm>>) target(%dma_start3A_401 : memref<128x32xf32, #tpu.memory_space<vmem>>) offsets(%dma_start3A_408 : memref<128xi32, #tpu.memory_space<vmem>>) semaphore(%run_scoped3A_397 : memref<!tpu.dma_semaphore, #tpu.memory_space<semaphore_mem>>)
          %dma_wait3A_412 = arith.constant 0 : i32
          %dma_wait3A_413 = arith.constant 0 : i32
          %dma_wait3A_414 = tpu.memref_slice %run_scoped3A_8[%rem3A_305, %dma_wait3A_412, %dma_wait3A_413] : memref<2x128x32xf32, #tpu.memory_space<vmem>> -> memref<1x128x32xf32, #tpu.memory_space<vmem>>
          %dma_wait3A_415 = tpu.memref_squeeze %dma_wait3A_414 : memref<1x128x32xf32, #tpu.memory_space<vmem>> -> memref<128x32xf32, #tpu.memory_space<vmem>>
          %dma_wait3A_416 = arith.constant 0 : i32
          %dma_wait3A_417 = arith.constant 0 : i32
          %dma_wait3A_418 = tpu.memref_slice %run_scoped3A[%rem3A_303, %dma_wait3A_416, %dma_wait3A_417] : memref<2x1x128xi32, #tpu.memory_space<vmem>> -> memref<1x1x128xi32, #tpu.memory_space<vmem>>
          %dma_wait3A_419 = tpu.memref_squeeze %dma_wait3A_418 : memref<1x1x128xi32, #tpu.memory_space<vmem>> -> memref<1x128xi32, #tpu.memory_space<vmem>>
          %dma_wait3A_420 = arith.constant 0 : i32
          %dma_wait3A_421 = tpu.memref_slice %dma_wait3A_419[%run_scoped3A_306, %dma_wait3A_420] : memref<1x128xi32, #tpu.memory_space<vmem>> -> memref<1x128xi32, #tpu.memory_space<vmem>>
          %dma_wait3A_422 = tpu.memref_squeeze %dma_wait3A_421 : memref<1x128xi32, #tpu.memory_space<vmem>> -> memref<128xi32, #tpu.memory_space<vmem>>
          %dma_wait3A_423 = arith.constant 0 : i32
          %dma_wait3A_424 = arith.constant 0 : i32
          %dma_wait3A_425 = tpu.memref_slice %arg2[%dma_wait3A_423, %dma_wait3A_424] : memref<2600000x32xf32, #tpu.memory_space<hbm>> -> memref<2600000x32xf32, #tpu.memory_space<hbm>>
          tpu.wait_indirect_dma semaphore(%run_scoped3A_397 : memref<!tpu.dma_semaphore, #tpu.memory_space<semaphore_mem>>) src(%dma_wait3A_425 : memref<2600000x32xf32, #tpu.memory_space<hbm>>) dst(%dma_wait3A_415 : memref<128x32xf32, #tpu.memory_space<vmem>>)
          tpu.yield
        }) : () -> ()
        "tpu.trace_stop"() : () -> ()
        %mul3A_307 = arith.constant 64 : i32
        %mul3A_308 = arith.muli %add3A_199, %mul3A_307 : i32
        %add3A_309 = arith.addi %mul3A_308, %add3A_200 : i32
        %mul3A_310 = arith.constant 64 : i32
        %mul3A_311 = arith.muli %add3A_235, %mul3A_310 : i32
        %add3A_312 = arith.addi %mul3A_311, %add3A_236 : i32
        %ne3A_313 = arith.cmpi ne, %add3A_309, %add3A_312 : i32
        %or3A_314 = arith.constant false
        %or3A_315 = arith.ori %or3A_314, %ne3A_313 : i1
        %or3A_316 = arith.ori %or3A_315, %eq3A_197 : i1
        %convert_element_type3A_317 = arith.extui %or3A_316 : i1 to i32
        %cond3A_318 = arith.constant 0 : i32
        %cond3A_319 = arith.cmpi ne, %convert_element_type3A_317, %cond3A_318 : i32
        scf.if %cond3A_319 {
        } else {
        }
        %and3A_320 = arith.constant false
        %and3A_321 = arith.andi %or3A_316, %and3A_320 : i1
        %ne3A_322 = arith.cmpi ne, %add3A_200, %add3A_236 : i32
        %ne3A_323 = arith.cmpi ne, %add3A_199, %add3A_235 : i32
        %or3A_324 = arith.constant false
        %or3A_325 = arith.ori %or3A_324, %ne3A_322 : i1
        %or3A_326 = arith.ori %or3A_325, %ne3A_323 : i1
        %or3A_327 = arith.ori %or3A_326, %eq3A_197 : i1
        %convert_element_type3A_328 = arith.extui %or3A_327 : i1 to i32
        %cond3A_329 = arith.constant 0 : i32
        %cond3A_330 = arith.cmpi ne, %convert_element_type3A_328, %cond3A_329 : i32
        scf.if %cond3A_330 {
          "tpu.trace_start"() <{level = 10 : i32, message = "ep_copy_out"}> : () -> ()
          %rem3A_397 = arith.constant 2 : i32
          %rem3A_398 = arith.remui %scan3A_190, %rem3A_397 : i32
          %mul3A_399 = arith.constant 128 : i32
          %mul3A_400 = arith.muli %mul3A_399, %add3A_200 : i32
          %mul3A_401 = arith.constant 32 : i32
          %mul3A_402 = arith.muli %mul3A_401, %add3A_199 : i32
          %dma_start3A_403 = arith.constant 0 : i32
          %dma_start3A_404 = arith.constant 0 : i32
          %dma_start3A_405 = tpu.memref_slice %run_scoped3A_8[%rem3A_398, %dma_start3A_403, %dma_start3A_404] : memref<2x128x32xf32, #tpu.memory_space<vmem>> -> memref<1x128x32xf32, #tpu.memory_space<vmem>>
          %dma_start3A_406 = tpu.memref_squeeze %dma_start3A_405 : memref<1x128x32xf32, #tpu.memory_space<vmem>> -> memref<128x32xf32, #tpu.memory_space<vmem>>
          %dma_start3A_407 = tpu.memref_slice %arg4[%mul3A_400, %mul3A_402] : memref<8192x832xf32, #tpu.memory_space<hbm>> -> memref<128x32xf32, #tpu.memory_space<hbm>>
          %dma_start3A_408 = tpu.memref_slice %run_scoped3A_9[%rem3A_398] : memref<2x!tpu.dma_semaphore, #tpu.memory_space<semaphore_mem>> -> memref<1x!tpu.dma_semaphore, #tpu.memory_space<semaphore_mem>>
          %dma_start3A_409 = tpu.memref_squeeze %dma_start3A_408 : memref<1x!tpu.dma_semaphore, #tpu.memory_space<semaphore_mem>> -> memref<!tpu.dma_semaphore, #tpu.memory_space<semaphore_mem>>
          %dma_start3A_410 = tpu.memref_slice %arg4[%mul3A_400, %mul3A_402] : memref<8192x832xf32, #tpu.memory_space<hbm>> -> memref<128x32xf32, #tpu.memory_space<hbm>>
          %dma_start3A_411 = arith.constant 0 : i32
          %dma_start3A_412 = arith.constant 0 : i32
          %dma_start3A_413 = tpu.memref_slice %run_scoped3A_8[%rem3A_398, %dma_start3A_411, %dma_start3A_412] : memref<2x128x32xf32, #tpu.memory_space<vmem>> -> memref<1x128x32xf32, #tpu.memory_space<vmem>>
          %dma_start3A_414 = tpu.memref_squeeze %dma_start3A_413 : memref<1x128x32xf32, #tpu.memory_space<vmem>> -> memref<128x32xf32, #tpu.memory_space<vmem>>
          tpu.enqueue_dma source(%dma_start3A_414 : memref<128x32xf32, #tpu.memory_space<vmem>>) target(%dma_start3A_410 : memref<128x32xf32, #tpu.memory_space<hbm>>) target_semaphore(%dma_start3A_409 : memref<!tpu.dma_semaphore, #tpu.memory_space<semaphore_mem>>)
          "tpu.trace_stop"() : () -> ()
        } else {
        }
        %and3A_331 = arith.constant true
        %and3A_332 = arith.andi %or3A_327, %and3A_331 : i1
        %add3A_333 = arith.constant 1 : i32
        %add3A_334 = arith.addi %scan3A_190, %add3A_333 : i32
        %select_n3A_335 = arith.select %and3A_332, %add3A_334, %scan3A_190 : i32
        %mul3A_336 = arith.constant 64 : i32
        %mul3A_337 = arith.muli %add3A_199, %mul3A_336 : i32
        %add3A_338 = arith.addi %mul3A_337, %add3A_200 : i32
        %mul3A_339 = arith.constant 64 : i32
        %mul3A_340 = arith.muli %add3A_217, %mul3A_339 : i32
        %add3A_341 = arith.addi %mul3A_340, %add3A_218 : i32
        %ne3A_342 = arith.cmpi ne, %add3A_338, %add3A_341 : i32
        %or3A_343 = arith.constant false
        %or3A_344 = arith.ori %or3A_343, %ne3A_342 : i1
        %not3A_345 = arith.constant true
        %not3A_346 = arith.xori %eq3A_195, %not3A_345 : i1
        %and3A_347 = arith.andi %or3A_344, %not3A_346 : i1
        %convert_element_type3A_348 = arith.extui %and3A_347 : i1 to i32
        %cond3A_349 = arith.constant 0 : i32
        %cond3A_350 = arith.cmpi ne, %convert_element_type3A_348, %cond3A_349 : i32
        scf.if %cond3A_350 {
        } else {
        }
        %and3A_351 = arith.constant false
        %and3A_352 = arith.andi %and3A_347, %and3A_351 : i1
        %ne3A_353 = arith.cmpi ne, %add3A_200, %add3A_218 : i32
        %ne3A_354 = arith.cmpi ne, %add3A_199, %add3A_217 : i32
        %or3A_355 = arith.constant false
        %or3A_356 = arith.ori %or3A_355, %ne3A_353 : i1
        %or3A_357 = arith.ori %or3A_356, %ne3A_354 : i1
        %not3A_358 = arith.constant true
        %not3A_359 = arith.xori %eq3A_195, %not3A_358 : i1
        %and3A_360 = arith.andi %or3A_357, %not3A_359 : i1
        %convert_element_type3A_361 = arith.extui %and3A_360 : i1 to i32
        %cond3A_362 = arith.constant 0 : i32
        %cond3A_363 = arith.cmpi ne, %convert_element_type3A_361, %cond3A_362 : i32
        scf.if %cond3A_363 {
          "tpu.trace_start"() <{level = 10 : i32, message = "ep_wait_out"}> : () -> ()
          %rem3A_397 = arith.constant 2 : i32
          %rem3A_398 = arith.remui %scan3A_191, %rem3A_397 : i32
          %mul3A_399 = arith.constant 128 : i32
          %mul3A_400 = arith.muli %mul3A_399, %add3A_218 : i32
          %mul3A_401 = arith.constant 32 : i32
          %mul3A_402 = arith.muli %mul3A_401, %add3A_217 : i32
          %dma_wait3A_403 = arith.constant 0 : i32
          %dma_wait3A_404 = arith.constant 0 : i32
          %dma_wait3A_405 = tpu.memref_slice %run_scoped3A_8[%rem3A_398, %dma_wait3A_403, %dma_wait3A_404] : memref<2x128x32xf32, #tpu.memory_space<vmem>> -> memref<1x128x32xf32, #tpu.memory_space<vmem>>
          %dma_wait3A_406 = tpu.memref_squeeze %dma_wait3A_405 : memref<1x128x32xf32, #tpu.memory_space<vmem>> -> memref<128x32xf32, #tpu.memory_space<vmem>>
          %dma_wait3A_407 = tpu.memref_slice %arg4[%mul3A_400, %mul3A_402] : memref<8192x832xf32, #tpu.memory_space<hbm>> -> memref<128x32xf32, #tpu.memory_space<hbm>>
          %dma_wait3A_408 = tpu.memref_slice %run_scoped3A_9[%rem3A_398] : memref<2x!tpu.dma_semaphore, #tpu.memory_space<semaphore_mem>> -> memref<1x!tpu.dma_semaphore, #tpu.memory_space<semaphore_mem>>
          %dma_wait3A_409 = tpu.memref_squeeze %dma_wait3A_408 : memref<1x!tpu.dma_semaphore, #tpu.memory_space<semaphore_mem>> -> memref<!tpu.dma_semaphore, #tpu.memory_space<semaphore_mem>>
          %dma_wait3A_410 = tpu.memref_slice %arg4[%mul3A_400, %mul3A_402] : memref<8192x832xf32, #tpu.memory_space<hbm>> -> memref<128x32xf32, #tpu.memory_space<hbm>>
          %dma_wait3A_411 = arith.constant 0 : i32
          %dma_wait3A_412 = arith.constant 0 : i32
          %dma_wait3A_413 = tpu.memref_slice %run_scoped3A_8[%rem3A_398, %dma_wait3A_411, %dma_wait3A_412] : memref<2x128x32xf32, #tpu.memory_space<vmem>> -> memref<1x128x32xf32, #tpu.memory_space<vmem>>
          %dma_wait3A_414 = tpu.memref_squeeze %dma_wait3A_413 : memref<1x128x32xf32, #tpu.memory_space<vmem>> -> memref<128x32xf32, #tpu.memory_space<vmem>>
          tpu.wait_dma2 semaphore(%dma_wait3A_409 : memref<!tpu.dma_semaphore, #tpu.memory_space<semaphore_mem>>) src(%dma_wait3A_414 : memref<128x32xf32, #tpu.memory_space<vmem>>) dst(%dma_wait3A_410 : memref<128x32xf32, #tpu.memory_space<hbm>>)
          "tpu.trace_stop"() : () -> ()
        } else {
        }
        %and3A_364 = arith.constant true
        %and3A_365 = arith.andi %and3A_360, %and3A_364 : i1
        %add3A_366 = arith.constant 1 : i32
        %add3A_367 = arith.addi %scan3A_191, %add3A_366 : i32
        %select_n3A_368 = arith.select %and3A_365, %add3A_367, %scan3A_191 : i32
        %mul3A_369 = arith.constant 64 : i32
        %mul3A_370 = arith.muli %add3A_199, %mul3A_369 : i32
        %add3A_371 = arith.addi %mul3A_370, %add3A_200 : i32
        %mul3A_372 = arith.constant 64 : i32
        %mul3A_373 = arith.muli %add3A_235, %mul3A_372 : i32
        %add3A_374 = arith.addi %mul3A_373, %add3A_236 : i32
        %ne3A_375 = arith.cmpi ne, %add3A_371, %add3A_374 : i32
        %or3A_376 = arith.constant false
        %or3A_377 = arith.ori %or3A_376, %ne3A_375 : i1
        %or3A_378 = arith.ori %or3A_377, %eq3A_197 : i1
        %add3A_379 = arith.constant 1 : i32
        %add3A_380 = arith.addi %scan3A_189, %add3A_379 : i32
        %select_n3A_381 = arith.select %or3A_378, %add3A_380, %scan3A_189 : i32
        %add3A_382 = arith.constant 1 : i32
        %add3A_383 = arith.addi %scan3A_193, %add3A_382 : i32
        %select_n3A_384 = arith.constant true
        %select_n3A_385 = arith.select %select_n3A_384, %add3A_383, %scan3A_193 : i32
        %eq3A_386 = arith.constant 2 : i32
        %eq3A_387 = arith.cmpi eq, %select_n3A_385, %eq3A_386 : i32
        %select_n3A_388 = arith.constant 0 : i32
        %select_n3A_389 = arith.select %eq3A_387, %select_n3A_388, %select_n3A_385 : i32
        %add3A_390 = arith.constant 1 : i32
        %add3A_391 = arith.addi %scan3A_192, %add3A_390 : i32
        %select_n3A_392 = arith.select %eq3A_387, %add3A_391, %scan3A_192 : i32
        %eq3A_393 = arith.constant 26 : i32
        %eq3A_394 = arith.cmpi eq, %select_n3A_392, %eq3A_393 : i32
        %select_n3A_395 = arith.constant 0 : i32
        %select_n3A_396 = arith.select %eq3A_394, %select_n3A_395, %select_n3A_392 : i32
        scf.yield %select_n3A_269, %select_n3A_381, %select_n3A_335, %select_n3A_368, %select_n3A_396, %select_n3A_389 : i32, i32, i32, i32, i32, i32
      }
      %scan3A_98 = arith.constant 52 : i32
      %sub3A = arith.constant 1 : i32
      %sub3A_99 = arith.subi %scan3A_97#5, %sub3A : i32
      %select_n3A_100 = arith.constant true
      %select_n3A_101 = arith.select %select_n3A_100, %sub3A_99, %scan3A_97#5 : i32
      %eq3A_102 = arith.constant -1 : i32
      %eq3A_103 = arith.cmpi eq, %select_n3A_101, %eq3A_102 : i32
      %select_n3A_104 = arith.constant 1 : i32
      %select_n3A_105 = arith.select %eq3A_103, %select_n3A_104, %select_n3A_101 : i32
      %sub3A_106 = arith.constant 1 : i32
      %sub3A_107 = arith.subi %scan3A_97#4, %sub3A_106 : i32
      %select_n3A_108 = arith.select %eq3A_103, %sub3A_107, %scan3A_97#4 : i32
      %eq3A_109 = arith.constant -1 : i32
      %eq3A_110 = arith.cmpi eq, %select_n3A_108, %eq3A_109 : i32
      %select_n3A_111 = arith.constant 25 : i32
      %select_n3A_112 = arith.select %eq3A_110, %select_n3A_111, %select_n3A_108 : i32
      %add3A_113 = arith.constant 0 : i32
      %add3A_114 = arith.addi %select_n3A_112, %add3A_113 : i32
      %add3A_115 = arith.addi %select_n3A_105, %mul3A_6 : i32
      %sub3A_116 = arith.constant 1 : i32
      %sub3A_117 = arith.subi %select_n3A_105, %sub3A_116 : i32
      %select_n3A_118 = arith.constant true
      %select_n3A_119 = arith.select %select_n3A_118, %sub3A_117, %select_n3A_105 : i32
      %eq3A_120 = arith.constant -1 : i32
      %eq3A_121 = arith.cmpi eq, %select_n3A_119, %eq3A_120 : i32
      %select_n3A_122 = arith.constant 1 : i32
      %select_n3A_123 = arith.select %eq3A_121, %select_n3A_122, %select_n3A_119 : i32
      %sub3A_124 = arith.constant 1 : i32
      %sub3A_125 = arith.subi %select_n3A_112, %sub3A_124 : i32
      %select_n3A_126 = arith.select %eq3A_121, %sub3A_125, %select_n3A_112 : i32
      %eq3A_127 = arith.constant -1 : i32
      %eq3A_128 = arith.cmpi eq, %select_n3A_126, %eq3A_127 : i32
      %select_n3A_129 = arith.constant 25 : i32
      %select_n3A_130 = arith.select %eq3A_128, %select_n3A_129, %select_n3A_126 : i32
      %add3A_131 = arith.constant 0 : i32
      %add3A_132 = arith.addi %select_n3A_130, %add3A_131 : i32
      %add3A_133 = arith.addi %select_n3A_123, %mul3A_6 : i32
      %add3A_134 = arith.constant 1 : i32
      %add3A_135 = arith.addi %select_n3A_105, %add3A_134 : i32
      %select_n3A_136 = arith.constant true
      %select_n3A_137 = arith.select %select_n3A_136, %add3A_135, %select_n3A_105 : i32
      %eq3A_138 = arith.constant 2 : i32
      %eq3A_139 = arith.cmpi eq, %select_n3A_137, %eq3A_138 : i32
      %select_n3A_140 = arith.constant 0 : i32
      %select_n3A_141 = arith.select %eq3A_139, %select_n3A_140, %select_n3A_137 : i32
      %add3A_142 = arith.constant 1 : i32
      %add3A_143 = arith.addi %select_n3A_112, %add3A_142 : i32
      %select_n3A_144 = arith.select %eq3A_139, %add3A_143, %select_n3A_112 : i32
      %eq3A_145 = arith.constant 26 : i32
      %eq3A_146 = arith.cmpi eq, %select_n3A_144, %eq3A_145 : i32
      %select_n3A_147 = arith.constant 0 : i32
      %select_n3A_148 = arith.select %eq3A_146, %select_n3A_147, %select_n3A_144 : i32
      %add3A_149 = arith.constant 0 : i32
      %add3A_150 = arith.addi %select_n3A_148, %add3A_149 : i32
      %add3A_151 = arith.addi %select_n3A_141, %mul3A_6 : i32
      %add3A_152 = arith.constant 1 : i32
      %add3A_153 = arith.addi %select_n3A_141, %add3A_152 : i32
      %select_n3A_154 = arith.constant true
      %select_n3A_155 = arith.select %select_n3A_154, %add3A_153, %select_n3A_141 : i32
      %eq3A_156 = arith.constant 2 : i32
      %eq3A_157 = arith.cmpi eq, %select_n3A_155, %eq3A_156 : i32
      %select_n3A_158 = arith.constant 0 : i32
      %select_n3A_159 = arith.select %eq3A_157, %select_n3A_158, %select_n3A_155 : i32
      %add3A_160 = arith.constant 1 : i32
      %add3A_161 = arith.addi %select_n3A_148, %add3A_160 : i32
      %select_n3A_162 = arith.select %eq3A_157, %add3A_161, %select_n3A_148 : i32
      %eq3A_163 = arith.constant 26 : i32
      %eq3A_164 = arith.cmpi eq, %select_n3A_162, %eq3A_163 : i32
      %select_n3A_165 = arith.constant 0 : i32
      %select_n3A_166 = arith.select %eq3A_164, %select_n3A_165, %select_n3A_162 : i32
      %add3A_167 = arith.constant 0 : i32
      %add3A_168 = arith.addi %select_n3A_166, %add3A_167 : i32
      %add3A_169 = arith.addi %select_n3A_159, %mul3A_6 : i32
      "tpu.trace_start"() <{level = 10 : i32, message = "ep_finalize"}> : () -> ()
      %rem3A_170 = arith.constant 2 : i32
      %rem3A_171 = arith.remui %scan3A_97#3, %rem3A_170 : i32
      %mul3A_172 = arith.constant 128 : i32
      %mul3A_173 = arith.muli %mul3A_172, %add3A_115 : i32
      %mul3A_174 = arith.constant 32 : i32
      %mul3A_175 = arith.muli %mul3A_174, %add3A_114 : i32
      %dma_wait3A = arith.constant 0 : i32
      %dma_wait3A_176 = arith.constant 0 : i32
      %dma_wait3A_177 = tpu.memref_slice %run_scoped3A_8[%rem3A_171, %dma_wait3A, %dma_wait3A_176] : memref<2x128x32xf32, #tpu.memory_space<vmem>> -> memref<1x128x32xf32, #tpu.memory_space<vmem>>
      %dma_wait3A_178 = tpu.memref_squeeze %dma_wait3A_177 : memref<1x128x32xf32, #tpu.memory_space<vmem>> -> memref<128x32xf32, #tpu.memory_space<vmem>>
      %dma_wait3A_179 = tpu.memref_slice %arg4[%mul3A_173, %mul3A_175] : memref<8192x832xf32, #tpu.memory_space<hbm>> -> memref<128x32xf32, #tpu.memory_space<hbm>>
      %dma_wait3A_180 = tpu.memref_slice %run_scoped3A_9[%rem3A_171] : memref<2x!tpu.dma_semaphore, #tpu.memory_space<semaphore_mem>> -> memref<1x!tpu.dma_semaphore, #tpu.memory_space<semaphore_mem>>
      %dma_wait3A_181 = tpu.memref_squeeze %dma_wait3A_180 : memref<1x!tpu.dma_semaphore, #tpu.memory_space<semaphore_mem>> -> memref<!tpu.dma_semaphore, #tpu.memory_space<semaphore_mem>>
      %dma_wait3A_182 = tpu.memref_slice %arg4[%mul3A_173, %mul3A_175] : memref<8192x832xf32, #tpu.memory_space<hbm>> -> memref<128x32xf32, #tpu.memory_space<hbm>>
      %dma_wait3A_183 = arith.constant 0 : i32
      %dma_wait3A_184 = arith.constant 0 : i32
      %dma_wait3A_185 = tpu.memref_slice %run_scoped3A_8[%rem3A_171, %dma_wait3A_183, %dma_wait3A_184] : memref<2x128x32xf32, #tpu.memory_space<vmem>> -> memref<1x128x32xf32, #tpu.memory_space<vmem>>
      %dma_wait3A_186 = tpu.memref_squeeze %dma_wait3A_185 : memref<1x128x32xf32, #tpu.memory_space<vmem>> -> memref<128x32xf32, #tpu.memory_space<vmem>>
      tpu.wait_dma2 semaphore(%dma_wait3A_181 : memref<!tpu.dma_semaphore, #tpu.memory_space<semaphore_mem>>) src(%dma_wait3A_186 : memref<128x32xf32, #tpu.memory_space<vmem>>) dst(%dma_wait3A_182 : memref<128x32xf32, #tpu.memory_space<hbm>>)
      "tpu.trace_stop"() : () -> ()
      tpu.yield
    }) : () -> ()
    return
  }
}

module attributes {stable_mosaic.version = 14 : i64} {
  func.func @_tc_body(%arg0: i32, %arg1: memref<512x832xf32, #tpu.memory_space<vmem>>, %arg2: memref<512x832xf32, #tpu.memory_space<vmem>>, %arg3: memref<512x676xf32, #tpu.memory_space<vmem>>, %arg4: memref<512x1xf32, #tpu.memory_space<vmem>>, %arg5: memref<256x512xf32, #tpu.memory_space<vmem>>, %arg6: memref<256x1xf32, #tpu.memory_space<vmem>>, %arg7: memref<1x256xf32, #tpu.memory_space<vmem>>, %arg8: memref<1x1xf32, #tpu.memory_space<vmem>>, %arg9: memref<1x512xf32, #tpu.memory_space<vmem>>, %arg10: memref<676x512xf32, #tpu.memory_space<vmem>>) attributes {dimension_semantics = [#tpu.dimension_semantics<arbitrary>], iteration_bounds = array<i64: 16>, scalar_prefetch = 0 : i64, scratch_operands = 1 : i64, tpu.core_type = #tpu.core_type<tc>, window_params = [{transform_indices = @transform_0, window_bounds = array<i64: 512, 832>}, {pipeline_mode = #tpu.pipeline_mode<synchronous>, transform_indices = @transform_1, window_bounds = array<i64: 512, 832>}, {pipeline_mode = #tpu.pipeline_mode<synchronous>, transform_indices = @transform_2, window_bounds = array<i64: 512, 676>}, {pipeline_mode = #tpu.pipeline_mode<synchronous>, transform_indices = @transform_3, window_bounds = array<i64: 512, 1>}, {pipeline_mode = #tpu.pipeline_mode<synchronous>, transform_indices = @transform_4, window_bounds = array<i64: 256, 512>}, {pipeline_mode = #tpu.pipeline_mode<synchronous>, transform_indices = @transform_5, window_bounds = array<i64: 256, 1>}, {pipeline_mode = #tpu.pipeline_mode<synchronous>, transform_indices = @transform_6, window_bounds = array<i64: 1, 256>}, {pipeline_mode = #tpu.pipeline_mode<synchronous>, transform_indices = @transform_7, window_bounds = array<i64: 1, 1>}, {transform_indices = @transform_8, window_bounds = array<i64: 1, 512>}]} {
    %get3A = arith.constant 0 : index
    %get3A_0 = arith.constant 0 : index
    %get3A_1 = vector.load %arg1[%get3A, %get3A_0] : memref<512x832xf32, #tpu.memory_space<vmem>>, vector<512x832xf32>
    %transpose3A = tpu.transpose %get3A_1, [1, 0] : vector<512x832xf32> -> vector<832x512xf32>
    %reshape3A = vector.shape_cast %transpose3A : vector<832x512xf32> to vector<26x32x512xf32>
    %slice3A = vector.extract_strided_slice %reshape3A {offsets = [0, 0, 0], sizes = [1, 32, 512], strides = [1, 1, 1]} : vector<26x32x512xf32> to vector<1x32x512xf32>
    %squeeze3A = vector.shape_cast %slice3A : vector<1x32x512xf32> to vector<32x512xf32>
    %broadcast_in_dim3A = vector.shape_cast %squeeze3A : vector<32x512xf32> to vector<1x32x512xf32>
    %mul3A = vector.broadcast %broadcast_in_dim3A : vector<1x32x512xf32> to vector<26x32x512xf32>
    %mul3A_2 = arith.mulf %reshape3A, %mul3A : vector<26x32x512xf32>
    %reduce_sum3A = arith.constant dense<0.000000e+00> : vector<26x512xf32>
    %reduce_sum3A_3 = vector.multi_reduction <add>, %mul3A_2, %reduce_sum3A [1] : vector<26x32x512xf32> to vector<26x512xf32>
    %swap3A = arith.constant 0 : index
    %swap3A_4 = arith.constant 0 : index
    %swap3A_5 = vector.load %arg10[%swap3A, %swap3A_4] : memref<676x512xf32, #tpu.memory_space<vmem>>, vector<26x512xf32>
    tpu.vector_store %arg10[%swap3A, %swap3A_4], %reduce_sum3A_3 {strides = array<i32>} : memref<676x512xf32, #tpu.memory_space<vmem>>, vector<26x512xf32>,
    %slice3A_6 = vector.extract_strided_slice %reshape3A {offsets = [1, 0, 0], sizes = [1, 32, 512], strides = [1, 1, 1]} : vector<26x32x512xf32> to vector<1x32x512xf32>
    %squeeze3A_7 = vector.shape_cast %slice3A_6 : vector<1x32x512xf32> to vector<32x512xf32>
    %broadcast_in_dim3A_8 = vector.shape_cast %squeeze3A_7 : vector<32x512xf32> to vector<1x32x512xf32>
    %mul3A_9 = vector.broadcast %broadcast_in_dim3A_8 : vector<1x32x512xf32> to vector<26x32x512xf32>
    %mul3A_10 = arith.mulf %reshape3A, %mul3A_9 : vector<26x32x512xf32>
    %reduce_sum3A_11 = arith.constant dense<0.000000e+00> : vector<26x512xf32>
    %reduce_sum3A_12 = vector.multi_reduction <add>, %mul3A_10, %reduce_sum3A_11 [1] : vector<26x32x512xf32> to vector<26x512xf32>
    %swap3A_13 = arith.constant 26 : index
    %swap3A_14 = arith.constant 0 : index
    %swap3A_15 = vector.load %arg10[%swap3A_13, %swap3A_14] : memref<676x512xf32, #tpu.memory_space<vmem>>, vector<26x512xf32>
    tpu.vector_store %arg10[%swap3A_13, %swap3A_14], %reduce_sum3A_12 {strides = array<i32>} : memref<676x512xf32, #tpu.memory_space<vmem>>, vector<26x512xf32>,
    %slice3A_16 = vector.extract_strided_slice %reshape3A {offsets = [2, 0, 0], sizes = [1, 32, 512], strides = [1, 1, 1]} : vector<26x32x512xf32> to vector<1x32x512xf32>
    %squeeze3A_17 = vector.shape_cast %slice3A_16 : vector<1x32x512xf32> to vector<32x512xf32>
    %broadcast_in_dim3A_18 = vector.shape_cast %squeeze3A_17 : vector<32x512xf32> to vector<1x32x512xf32>
    %mul3A_19 = vector.broadcast %broadcast_in_dim3A_18 : vector<1x32x512xf32> to vector<26x32x512xf32>
    %mul3A_20 = arith.mulf %reshape3A, %mul3A_19 : vector<26x32x512xf32>
    %reduce_sum3A_21 = arith.constant dense<0.000000e+00> : vector<26x512xf32>
    %reduce_sum3A_22 = vector.multi_reduction <add>, %mul3A_20, %reduce_sum3A_21 [1] : vector<26x32x512xf32> to vector<26x512xf32>
    %swap3A_23 = arith.constant 52 : index
    %swap3A_24 = arith.constant 0 : index
    %swap3A_25 = vector.load %arg10[%swap3A_23, %swap3A_24] : memref<676x512xf32, #tpu.memory_space<vmem>>, vector<26x512xf32>
    tpu.vector_store %arg10[%swap3A_23, %swap3A_24], %reduce_sum3A_22 {strides = array<i32>} : memref<676x512xf32, #tpu.memory_space<vmem>>, vector<26x512xf32>,
    %slice3A_26 = vector.extract_strided_slice %reshape3A {offsets = [3, 0, 0], sizes = [1, 32, 512], strides = [1, 1, 1]} : vector<26x32x512xf32> to vector<1x32x512xf32>
    %squeeze3A_27 = vector.shape_cast %slice3A_26 : vector<1x32x512xf32> to vector<32x512xf32>
    %broadcast_in_dim3A_28 = vector.shape_cast %squeeze3A_27 : vector<32x512xf32> to vector<1x32x512xf32>
    %mul3A_29 = vector.broadcast %broadcast_in_dim3A_28 : vector<1x32x512xf32> to vector<26x32x512xf32>
    %mul3A_30 = arith.mulf %reshape3A, %mul3A_29 : vector<26x32x512xf32>
    %reduce_sum3A_31 = arith.constant dense<0.000000e+00> : vector<26x512xf32>
    %reduce_sum3A_32 = vector.multi_reduction <add>, %mul3A_30, %reduce_sum3A_31 [1] : vector<26x32x512xf32> to vector<26x512xf32>
    %swap3A_33 = arith.constant 78 : index
    %swap3A_34 = arith.constant 0 : index
    %swap3A_35 = vector.load %arg10[%swap3A_33, %swap3A_34] : memref<676x512xf32, #tpu.memory_space<vmem>>, vector<26x512xf32>
    tpu.vector_store %arg10[%swap3A_33, %swap3A_34], %reduce_sum3A_32 {strides = array<i32>} : memref<676x512xf32, #tpu.memory_space<vmem>>, vector<26x512xf32>,
    %slice3A_36 = vector.extract_strided_slice %reshape3A {offsets = [4, 0, 0], sizes = [1, 32, 512], strides = [1, 1, 1]} : vector<26x32x512xf32> to vector<1x32x512xf32>
    %squeeze3A_37 = vector.shape_cast %slice3A_36 : vector<1x32x512xf32> to vector<32x512xf32>
    %broadcast_in_dim3A_38 = vector.shape_cast %squeeze3A_37 : vector<32x512xf32> to vector<1x32x512xf32>
    %mul3A_39 = vector.broadcast %broadcast_in_dim3A_38 : vector<1x32x512xf32> to vector<26x32x512xf32>
    %mul3A_40 = arith.mulf %reshape3A, %mul3A_39 : vector<26x32x512xf32>
    %reduce_sum3A_41 = arith.constant dense<0.000000e+00> : vector<26x512xf32>
    %reduce_sum3A_42 = vector.multi_reduction <add>, %mul3A_40, %reduce_sum3A_41 [1] : vector<26x32x512xf32> to vector<26x512xf32>
    %swap3A_43 = arith.constant 104 : index
    %swap3A_44 = arith.constant 0 : index
    %swap3A_45 = vector.load %arg10[%swap3A_43, %swap3A_44] : memref<676x512xf32, #tpu.memory_space<vmem>>, vector<26x512xf32>
    tpu.vector_store %arg10[%swap3A_43, %swap3A_44], %reduce_sum3A_42 {strides = array<i32>} : memref<676x512xf32, #tpu.memory_space<vmem>>, vector<26x512xf32>,
    %slice3A_46 = vector.extract_strided_slice %reshape3A {offsets = [5, 0, 0], sizes = [1, 32, 512], strides = [1, 1, 1]} : vector<26x32x512xf32> to vector<1x32x512xf32>
    %squeeze3A_47 = vector.shape_cast %slice3A_46 : vector<1x32x512xf32> to vector<32x512xf32>
    %broadcast_in_dim3A_48 = vector.shape_cast %squeeze3A_47 : vector<32x512xf32> to vector<1x32x512xf32>
    %mul3A_49 = vector.broadcast %broadcast_in_dim3A_48 : vector<1x32x512xf32> to vector<26x32x512xf32>
    %mul3A_50 = arith.mulf %reshape3A, %mul3A_49 : vector<26x32x512xf32>
    %reduce_sum3A_51 = arith.constant dense<0.000000e+00> : vector<26x512xf32>
    %reduce_sum3A_52 = vector.multi_reduction <add>, %mul3A_50, %reduce_sum3A_51 [1] : vector<26x32x512xf32> to vector<26x512xf32>
    %swap3A_53 = arith.constant 130 : index
    %swap3A_54 = arith.constant 0 : index
    %swap3A_55 = vector.load %arg10[%swap3A_53, %swap3A_54] : memref<676x512xf32, #tpu.memory_space<vmem>>, vector<26x512xf32>
    tpu.vector_store %arg10[%swap3A_53, %swap3A_54], %reduce_sum3A_52 {strides = array<i32>} : memref<676x512xf32, #tpu.memory_space<vmem>>, vector<26x512xf32>,
    %slice3A_56 = vector.extract_strided_slice %reshape3A {offsets = [6, 0, 0], sizes = [1, 32, 512], strides = [1, 1, 1]} : vector<26x32x512xf32> to vector<1x32x512xf32>
    %squeeze3A_57 = vector.shape_cast %slice3A_56 : vector<1x32x512xf32> to vector<32x512xf32>
    %broadcast_in_dim3A_58 = vector.shape_cast %squeeze3A_57 : vector<32x512xf32> to vector<1x32x512xf32>
    %mul3A_59 = vector.broadcast %broadcast_in_dim3A_58 : vector<1x32x512xf32> to vector<26x32x512xf32>
    %mul3A_60 = arith.mulf %reshape3A, %mul3A_59 : vector<26x32x512xf32>
    %reduce_sum3A_61 = arith.constant dense<0.000000e+00> : vector<26x512xf32>
    %reduce_sum3A_62 = vector.multi_reduction <add>, %mul3A_60, %reduce_sum3A_61 [1] : vector<26x32x512xf32> to vector<26x512xf32>
    %swap3A_63 = arith.constant 156 : index
    %swap3A_64 = arith.constant 0 : index
    %swap3A_65 = vector.load %arg10[%swap3A_63, %swap3A_64] : memref<676x512xf32, #tpu.memory_space<vmem>>, vector<26x512xf32>
    tpu.vector_store %arg10[%swap3A_63, %swap3A_64], %reduce_sum3A_62 {strides = array<i32>} : memref<676x512xf32, #tpu.memory_space<vmem>>, vector<26x512xf32>,
    %slice3A_66 = vector.extract_strided_slice %reshape3A {offsets = [7, 0, 0], sizes = [1, 32, 512], strides = [1, 1, 1]} : vector<26x32x512xf32> to vector<1x32x512xf32>
    %squeeze3A_67 = vector.shape_cast %slice3A_66 : vector<1x32x512xf32> to vector<32x512xf32>
    %broadcast_in_dim3A_68 = vector.shape_cast %squeeze3A_67 : vector<32x512xf32> to vector<1x32x512xf32>
    %mul3A_69 = vector.broadcast %broadcast_in_dim3A_68 : vector<1x32x512xf32> to vector<26x32x512xf32>
    %mul3A_70 = arith.mulf %reshape3A, %mul3A_69 : vector<26x32x512xf32>
    %reduce_sum3A_71 = arith.constant dense<0.000000e+00> : vector<26x512xf32>
    %reduce_sum3A_72 = vector.multi_reduction <add>, %mul3A_70, %reduce_sum3A_71 [1] : vector<26x32x512xf32> to vector<26x512xf32>
    %swap3A_73 = arith.constant 182 : index
    %swap3A_74 = arith.constant 0 : index
    %swap3A_75 = vector.load %arg10[%swap3A_73, %swap3A_74] : memref<676x512xf32, #tpu.memory_space<vmem>>, vector<26x512xf32>
    tpu.vector_store %arg10[%swap3A_73, %swap3A_74], %reduce_sum3A_72 {strides = array<i32>} : memref<676x512xf32, #tpu.memory_space<vmem>>, vector<26x512xf32>,
    %slice3A_76 = vector.extract_strided_slice %reshape3A {offsets = [8, 0, 0], sizes = [1, 32, 512], strides = [1, 1, 1]} : vector<26x32x512xf32> to vector<1x32x512xf32>
    %squeeze3A_77 = vector.shape_cast %slice3A_76 : vector<1x32x512xf32> to vector<32x512xf32>
    %broadcast_in_dim3A_78 = vector.shape_cast %squeeze3A_77 : vector<32x512xf32> to vector<1x32x512xf32>
    %mul3A_79 = vector.broadcast %broadcast_in_dim3A_78 : vector<1x32x512xf32> to vector<26x32x512xf32>
    %mul3A_80 = arith.mulf %reshape3A, %mul3A_79 : vector<26x32x512xf32>
    %reduce_sum3A_81 = arith.constant dense<0.000000e+00> : vector<26x512xf32>
    %reduce_sum3A_82 = vector.multi_reduction <add>, %mul3A_80, %reduce_sum3A_81 [1] : vector<26x32x512xf32> to vector<26x512xf32>
    %swap3A_83 = arith.constant 208 : index
    %swap3A_84 = arith.constant 0 : index
    %swap3A_85 = vector.load %arg10[%swap3A_83, %swap3A_84] : memref<676x512xf32, #tpu.memory_space<vmem>>, vector<26x512xf32>
    tpu.vector_store %arg10[%swap3A_83, %swap3A_84], %reduce_sum3A_82 {strides = array<i32>} : memref<676x512xf32, #tpu.memory_space<vmem>>, vector<26x512xf32>,
    %slice3A_86 = vector.extract_strided_slice %reshape3A {offsets = [9, 0, 0], sizes = [1, 32, 512], strides = [1, 1, 1]} : vector<26x32x512xf32> to vector<1x32x512xf32>
    %squeeze3A_87 = vector.shape_cast %slice3A_86 : vector<1x32x512xf32> to vector<32x512xf32>
    %broadcast_in_dim3A_88 = vector.shape_cast %squeeze3A_87 : vector<32x512xf32> to vector<1x32x512xf32>
    %mul3A_89 = vector.broadcast %broadcast_in_dim3A_88 : vector<1x32x512xf32> to vector<26x32x512xf32>
    %mul3A_90 = arith.mulf %reshape3A, %mul3A_89 : vector<26x32x512xf32>
    %reduce_sum3A_91 = arith.constant dense<0.000000e+00> : vector<26x512xf32>
    %reduce_sum3A_92 = vector.multi_reduction <add>, %mul3A_90, %reduce_sum3A_91 [1] : vector<26x32x512xf32> to vector<26x512xf32>
    %swap3A_93 = arith.constant 234 : index
    %swap3A_94 = arith.constant 0 : index
    %swap3A_95 = vector.load %arg10[%swap3A_93, %swap3A_94] : memref<676x512xf32, #tpu.memory_space<vmem>>, vector<26x512xf32>
    tpu.vector_store %arg10[%swap3A_93, %swap3A_94], %reduce_sum3A_92 {strides = array<i32>} : memref<676x512xf32, #tpu.memory_space<vmem>>, vector<26x512xf32>,
    %slice3A_96 = vector.extract_strided_slice %reshape3A {offsets = [10, 0, 0], sizes = [1, 32, 512], strides = [1, 1, 1]} : vector<26x32x512xf32> to vector<1x32x512xf32>
    %squeeze3A_97 = vector.shape_cast %slice3A_96 : vector<1x32x512xf32> to vector<32x512xf32>
    %broadcast_in_dim3A_98 = vector.shape_cast %squeeze3A_97 : vector<32x512xf32> to vector<1x32x512xf32>
    %mul3A_99 = vector.broadcast %broadcast_in_dim3A_98 : vector<1x32x512xf32> to vector<26x32x512xf32>
    %mul3A_100 = arith.mulf %reshape3A, %mul3A_99 : vector<26x32x512xf32>
    %reduce_sum3A_101 = arith.constant dense<0.000000e+00> : vector<26x512xf32>
    %reduce_sum3A_102 = vector.multi_reduction <add>, %mul3A_100, %reduce_sum3A_101 [1] : vector<26x32x512xf32> to vector<26x512xf32>
    %swap3A_103 = arith.constant 260 : index
    %swap3A_104 = arith.constant 0 : index
    %swap3A_105 = vector.load %arg10[%swap3A_103, %swap3A_104] : memref<676x512xf32, #tpu.memory_space<vmem>>, vector<26x512xf32>
    tpu.vector_store %arg10[%swap3A_103, %swap3A_104], %reduce_sum3A_102 {strides = array<i32>} : memref<676x512xf32, #tpu.memory_space<vmem>>, vector<26x512xf32>,
    %slice3A_106 = vector.extract_strided_slice %reshape3A {offsets = [11, 0, 0], sizes = [1, 32, 512], strides = [1, 1, 1]} : vector<26x32x512xf32> to vector<1x32x512xf32>
    %squeeze3A_107 = vector.shape_cast %slice3A_106 : vector<1x32x512xf32> to vector<32x512xf32>
    %broadcast_in_dim3A_108 = vector.shape_cast %squeeze3A_107 : vector<32x512xf32> to vector<1x32x512xf32>
    %mul3A_109 = vector.broadcast %broadcast_in_dim3A_108 : vector<1x32x512xf32> to vector<26x32x512xf32>
    %mul3A_110 = arith.mulf %reshape3A, %mul3A_109 : vector<26x32x512xf32>
    %reduce_sum3A_111 = arith.constant dense<0.000000e+00> : vector<26x512xf32>
    %reduce_sum3A_112 = vector.multi_reduction <add>, %mul3A_110, %reduce_sum3A_111 [1] : vector<26x32x512xf32> to vector<26x512xf32>
    %swap3A_113 = arith.constant 286 : index
    %swap3A_114 = arith.constant 0 : index
    %swap3A_115 = vector.load %arg10[%swap3A_113, %swap3A_114] : memref<676x512xf32, #tpu.memory_space<vmem>>, vector<26x512xf32>
    tpu.vector_store %arg10[%swap3A_113, %swap3A_114], %reduce_sum3A_112 {strides = array<i32>} : memref<676x512xf32, #tpu.memory_space<vmem>>, vector<26x512xf32>,
    %slice3A_116 = vector.extract_strided_slice %reshape3A {offsets = [12, 0, 0], sizes = [1, 32, 512], strides = [1, 1, 1]} : vector<26x32x512xf32> to vector<1x32x512xf32>
    %squeeze3A_117 = vector.shape_cast %slice3A_116 : vector<1x32x512xf32> to vector<32x512xf32>
    %broadcast_in_dim3A_118 = vector.shape_cast %squeeze3A_117 : vector<32x512xf32> to vector<1x32x512xf32>
    %mul3A_119 = vector.broadcast %broadcast_in_dim3A_118 : vector<1x32x512xf32> to vector<26x32x512xf32>
    %mul3A_120 = arith.mulf %reshape3A, %mul3A_119 : vector<26x32x512xf32>
    %reduce_sum3A_121 = arith.constant dense<0.000000e+00> : vector<26x512xf32>
    %reduce_sum3A_122 = vector.multi_reduction <add>, %mul3A_120, %reduce_sum3A_121 [1] : vector<26x32x512xf32> to vector<26x512xf32>
    %swap3A_123 = arith.constant 312 : index
    %swap3A_124 = arith.constant 0 : index
    %swap3A_125 = vector.load %arg10[%swap3A_123, %swap3A_124] : memref<676x512xf32, #tpu.memory_space<vmem>>, vector<26x512xf32>
    tpu.vector_store %arg10[%swap3A_123, %swap3A_124], %reduce_sum3A_122 {strides = array<i32>} : memref<676x512xf32, #tpu.memory_space<vmem>>, vector<26x512xf32>,
    %slice3A_126 = vector.extract_strided_slice %reshape3A {offsets = [13, 0, 0], sizes = [1, 32, 512], strides = [1, 1, 1]} : vector<26x32x512xf32> to vector<1x32x512xf32>
    %squeeze3A_127 = vector.shape_cast %slice3A_126 : vector<1x32x512xf32> to vector<32x512xf32>
    %broadcast_in_dim3A_128 = vector.shape_cast %squeeze3A_127 : vector<32x512xf32> to vector<1x32x512xf32>
    %mul3A_129 = vector.broadcast %broadcast_in_dim3A_128 : vector<1x32x512xf32> to vector<26x32x512xf32>
    %mul3A_130 = arith.mulf %reshape3A, %mul3A_129 : vector<26x32x512xf32>
    %reduce_sum3A_131 = arith.constant dense<0.000000e+00> : vector<26x512xf32>
    %reduce_sum3A_132 = vector.multi_reduction <add>, %mul3A_130, %reduce_sum3A_131 [1] : vector<26x32x512xf32> to vector<26x512xf32>
    %swap3A_133 = arith.constant 338 : index
    %swap3A_134 = arith.constant 0 : index
    %swap3A_135 = vector.load %arg10[%swap3A_133, %swap3A_134] : memref<676x512xf32, #tpu.memory_space<vmem>>, vector<26x512xf32>
    tpu.vector_store %arg10[%swap3A_133, %swap3A_134], %reduce_sum3A_132 {strides = array<i32>} : memref<676x512xf32, #tpu.memory_space<vmem>>, vector<26x512xf32>,
    %slice3A_136 = vector.extract_strided_slice %reshape3A {offsets = [14, 0, 0], sizes = [1, 32, 512], strides = [1, 1, 1]} : vector<26x32x512xf32> to vector<1x32x512xf32>
    %squeeze3A_137 = vector.shape_cast %slice3A_136 : vector<1x32x512xf32> to vector<32x512xf32>
    %broadcast_in_dim3A_138 = vector.shape_cast %squeeze3A_137 : vector<32x512xf32> to vector<1x32x512xf32>
    %mul3A_139 = vector.broadcast %broadcast_in_dim3A_138 : vector<1x32x512xf32> to vector<26x32x512xf32>
    %mul3A_140 = arith.mulf %reshape3A, %mul3A_139 : vector<26x32x512xf32>
    %reduce_sum3A_141 = arith.constant dense<0.000000e+00> : vector<26x512xf32>
    %reduce_sum3A_142 = vector.multi_reduction <add>, %mul3A_140, %reduce_sum3A_141 [1] : vector<26x32x512xf32> to vector<26x512xf32>
    %swap3A_143 = arith.constant 364 : index
    %swap3A_144 = arith.constant 0 : index
    %swap3A_145 = vector.load %arg10[%swap3A_143, %swap3A_144] : memref<676x512xf32, #tpu.memory_space<vmem>>, vector<26x512xf32>
    tpu.vector_store %arg10[%swap3A_143, %swap3A_144], %reduce_sum3A_142 {strides = array<i32>} : memref<676x512xf32, #tpu.memory_space<vmem>>, vector<26x512xf32>,
    %slice3A_146 = vector.extract_strided_slice %reshape3A {offsets = [15, 0, 0], sizes = [1, 32, 512], strides = [1, 1, 1]} : vector<26x32x512xf32> to vector<1x32x512xf32>
    %squeeze3A_147 = vector.shape_cast %slice3A_146 : vector<1x32x512xf32> to vector<32x512xf32>
    %broadcast_in_dim3A_148 = vector.shape_cast %squeeze3A_147 : vector<32x512xf32> to vector<1x32x512xf32>
    %mul3A_149 = vector.broadcast %broadcast_in_dim3A_148 : vector<1x32x512xf32> to vector<26x32x512xf32>
    %mul3A_150 = arith.mulf %reshape3A, %mul3A_149 : vector<26x32x512xf32>
    %reduce_sum3A_151 = arith.constant dense<0.000000e+00> : vector<26x512xf32>
    %reduce_sum3A_152 = vector.multi_reduction <add>, %mul3A_150, %reduce_sum3A_151 [1] : vector<26x32x512xf32> to vector<26x512xf32>
    %swap3A_153 = arith.constant 390 : index
    %swap3A_154 = arith.constant 0 : index
    %swap3A_155 = vector.load %arg10[%swap3A_153, %swap3A_154] : memref<676x512xf32, #tpu.memory_space<vmem>>, vector<26x512xf32>
    tpu.vector_store %arg10[%swap3A_153, %swap3A_154], %reduce_sum3A_152 {strides = array<i32>} : memref<676x512xf32, #tpu.memory_space<vmem>>, vector<26x512xf32>,
    %slice3A_156 = vector.extract_strided_slice %reshape3A {offsets = [16, 0, 0], sizes = [1, 32, 512], strides = [1, 1, 1]} : vector<26x32x512xf32> to vector<1x32x512xf32>
    %squeeze3A_157 = vector.shape_cast %slice3A_156 : vector<1x32x512xf32> to vector<32x512xf32>
    %broadcast_in_dim3A_158 = vector.shape_cast %squeeze3A_157 : vector<32x512xf32> to vector<1x32x512xf32>
    %mul3A_159 = vector.broadcast %broadcast_in_dim3A_158 : vector<1x32x512xf32> to vector<26x32x512xf32>
    %mul3A_160 = arith.mulf %reshape3A, %mul3A_159 : vector<26x32x512xf32>
    %reduce_sum3A_161 = arith.constant dense<0.000000e+00> : vector<26x512xf32>
    %reduce_sum3A_162 = vector.multi_reduction <add>, %mul3A_160, %reduce_sum3A_161 [1] : vector<26x32x512xf32> to vector<26x512xf32>
    %swap3A_163 = arith.constant 416 : index
    %swap3A_164 = arith.constant 0 : index
    %swap3A_165 = vector.load %arg10[%swap3A_163, %swap3A_164] : memref<676x512xf32, #tpu.memory_space<vmem>>, vector<26x512xf32>
    tpu.vector_store %arg10[%swap3A_163, %swap3A_164], %reduce_sum3A_162 {strides = array<i32>} : memref<676x512xf32, #tpu.memory_space<vmem>>, vector<26x512xf32>,
    %slice3A_166 = vector.extract_strided_slice %reshape3A {offsets = [17, 0, 0], sizes = [1, 32, 512], strides = [1, 1, 1]} : vector<26x32x512xf32> to vector<1x32x512xf32>
    %squeeze3A_167 = vector.shape_cast %slice3A_166 : vector<1x32x512xf32> to vector<32x512xf32>
    %broadcast_in_dim3A_168 = vector.shape_cast %squeeze3A_167 : vector<32x512xf32> to vector<1x32x512xf32>
    %mul3A_169 = vector.broadcast %broadcast_in_dim3A_168 : vector<1x32x512xf32> to vector<26x32x512xf32>
    %mul3A_170 = arith.mulf %reshape3A, %mul3A_169 : vector<26x32x512xf32>
    %reduce_sum3A_171 = arith.constant dense<0.000000e+00> : vector<26x512xf32>
    %reduce_sum3A_172 = vector.multi_reduction <add>, %mul3A_170, %reduce_sum3A_171 [1] : vector<26x32x512xf32> to vector<26x512xf32>
    %swap3A_173 = arith.constant 442 : index
    %swap3A_174 = arith.constant 0 : index
    %swap3A_175 = vector.load %arg10[%swap3A_173, %swap3A_174] : memref<676x512xf32, #tpu.memory_space<vmem>>, vector<26x512xf32>
    tpu.vector_store %arg10[%swap3A_173, %swap3A_174], %reduce_sum3A_172 {strides = array<i32>} : memref<676x512xf32, #tpu.memory_space<vmem>>, vector<26x512xf32>,
    %slice3A_176 = vector.extract_strided_slice %reshape3A {offsets = [18, 0, 0], sizes = [1, 32, 512], strides = [1, 1, 1]} : vector<26x32x512xf32> to vector<1x32x512xf32>
    %squeeze3A_177 = vector.shape_cast %slice3A_176 : vector<1x32x512xf32> to vector<32x512xf32>
    %broadcast_in_dim3A_178 = vector.shape_cast %squeeze3A_177 : vector<32x512xf32> to vector<1x32x512xf32>
    %mul3A_179 = vector.broadcast %broadcast_in_dim3A_178 : vector<1x32x512xf32> to vector<26x32x512xf32>
    %mul3A_180 = arith.mulf %reshape3A, %mul3A_179 : vector<26x32x512xf32>
    %reduce_sum3A_181 = arith.constant dense<0.000000e+00> : vector<26x512xf32>
    %reduce_sum3A_182 = vector.multi_reduction <add>, %mul3A_180, %reduce_sum3A_181 [1] : vector<26x32x512xf32> to vector<26x512xf32>
    %swap3A_183 = arith.constant 468 : index
    %swap3A_184 = arith.constant 0 : index
    %swap3A_185 = vector.load %arg10[%swap3A_183, %swap3A_184] : memref<676x512xf32, #tpu.memory_space<vmem>>, vector<26x512xf32>
    tpu.vector_store %arg10[%swap3A_183, %swap3A_184], %reduce_sum3A_182 {strides = array<i32>} : memref<676x512xf32, #tpu.memory_space<vmem>>, vector<26x512xf32>,
    %slice3A_186 = vector.extract_strided_slice %reshape3A {offsets = [19, 0, 0], sizes = [1, 32, 512], strides = [1, 1, 1]} : vector<26x32x512xf32> to vector<1x32x512xf32>
    %squeeze3A_187 = vector.shape_cast %slice3A_186 : vector<1x32x512xf32> to vector<32x512xf32>
    %broadcast_in_dim3A_188 = vector.shape_cast %squeeze3A_187 : vector<32x512xf32> to vector<1x32x512xf32>
    %mul3A_189 = vector.broadcast %broadcast_in_dim3A_188 : vector<1x32x512xf32> to vector<26x32x512xf32>
    %mul3A_190 = arith.mulf %reshape3A, %mul3A_189 : vector<26x32x512xf32>
    %reduce_sum3A_191 = arith.constant dense<0.000000e+00> : vector<26x512xf32>
    %reduce_sum3A_192 = vector.multi_reduction <add>, %mul3A_190, %reduce_sum3A_191 [1] : vector<26x32x512xf32> to vector<26x512xf32>
    %swap3A_193 = arith.constant 494 : index
    %swap3A_194 = arith.constant 0 : index
    %swap3A_195 = vector.load %arg10[%swap3A_193, %swap3A_194] : memref<676x512xf32, #tpu.memory_space<vmem>>, vector<26x512xf32>
    tpu.vector_store %arg10[%swap3A_193, %swap3A_194], %reduce_sum3A_192 {strides = array<i32>} : memref<676x512xf32, #tpu.memory_space<vmem>>, vector<26x512xf32>,
    %slice3A_196 = vector.extract_strided_slice %reshape3A {offsets = [20, 0, 0], sizes = [1, 32, 512], strides = [1, 1, 1]} : vector<26x32x512xf32> to vector<1x32x512xf32>
    %squeeze3A_197 = vector.shape_cast %slice3A_196 : vector<1x32x512xf32> to vector<32x512xf32>
    %broadcast_in_dim3A_198 = vector.shape_cast %squeeze3A_197 : vector<32x512xf32> to vector<1x32x512xf32>
    %mul3A_199 = vector.broadcast %broadcast_in_dim3A_198 : vector<1x32x512xf32> to vector<26x32x512xf32>
    %mul3A_200 = arith.mulf %reshape3A, %mul3A_199 : vector<26x32x512xf32>
    %reduce_sum3A_201 = arith.constant dense<0.000000e+00> : vector<26x512xf32>
    %reduce_sum3A_202 = vector.multi_reduction <add>, %mul3A_200, %reduce_sum3A_201 [1] : vector<26x32x512xf32> to vector<26x512xf32>
    %swap3A_203 = arith.constant 520 : index
    %swap3A_204 = arith.constant 0 : index
    %swap3A_205 = vector.load %arg10[%swap3A_203, %swap3A_204] : memref<676x512xf32, #tpu.memory_space<vmem>>, vector<26x512xf32>
    tpu.vector_store %arg10[%swap3A_203, %swap3A_204], %reduce_sum3A_202 {strides = array<i32>} : memref<676x512xf32, #tpu.memory_space<vmem>>, vector<26x512xf32>,
    %slice3A_206 = vector.extract_strided_slice %reshape3A {offsets = [21, 0, 0], sizes = [1, 32, 512], strides = [1, 1, 1]} : vector<26x32x512xf32> to vector<1x32x512xf32>
    %squeeze3A_207 = vector.shape_cast %slice3A_206 : vector<1x32x512xf32> to vector<32x512xf32>
    %broadcast_in_dim3A_208 = vector.shape_cast %squeeze3A_207 : vector<32x512xf32> to vector<1x32x512xf32>
    %mul3A_209 = vector.broadcast %broadcast_in_dim3A_208 : vector<1x32x512xf32> to vector<26x32x512xf32>
    %mul3A_210 = arith.mulf %reshape3A, %mul3A_209 : vector<26x32x512xf32>
    %reduce_sum3A_211 = arith.constant dense<0.000000e+00> : vector<26x512xf32>
    %reduce_sum3A_212 = vector.multi_reduction <add>, %mul3A_210, %reduce_sum3A_211 [1] : vector<26x32x512xf32> to vector<26x512xf32>
    %swap3A_213 = arith.constant 546 : index
    %swap3A_214 = arith.constant 0 : index
    %swap3A_215 = vector.load %arg10[%swap3A_213, %swap3A_214] : memref<676x512xf32, #tpu.memory_space<vmem>>, vector<26x512xf32>
    tpu.vector_store %arg10[%swap3A_213, %swap3A_214], %reduce_sum3A_212 {strides = array<i32>} : memref<676x512xf32, #tpu.memory_space<vmem>>, vector<26x512xf32>,
    %slice3A_216 = vector.extract_strided_slice %reshape3A {offsets = [22, 0, 0], sizes = [1, 32, 512], strides = [1, 1, 1]} : vector<26x32x512xf32> to vector<1x32x512xf32>
    %squeeze3A_217 = vector.shape_cast %slice3A_216 : vector<1x32x512xf32> to vector<32x512xf32>
    %broadcast_in_dim3A_218 = vector.shape_cast %squeeze3A_217 : vector<32x512xf32> to vector<1x32x512xf32>
    %mul3A_219 = vector.broadcast %broadcast_in_dim3A_218 : vector<1x32x512xf32> to vector<26x32x512xf32>
    %mul3A_220 = arith.mulf %reshape3A, %mul3A_219 : vector<26x32x512xf32>
    %reduce_sum3A_221 = arith.constant dense<0.000000e+00> : vector<26x512xf32>
    %reduce_sum3A_222 = vector.multi_reduction <add>, %mul3A_220, %reduce_sum3A_221 [1] : vector<26x32x512xf32> to vector<26x512xf32>
    %swap3A_223 = arith.constant 572 : index
    %swap3A_224 = arith.constant 0 : index
    %swap3A_225 = vector.load %arg10[%swap3A_223, %swap3A_224] : memref<676x512xf32, #tpu.memory_space<vmem>>, vector<26x512xf32>
    tpu.vector_store %arg10[%swap3A_223, %swap3A_224], %reduce_sum3A_222 {strides = array<i32>} : memref<676x512xf32, #tpu.memory_space<vmem>>, vector<26x512xf32>,
    %slice3A_226 = vector.extract_strided_slice %reshape3A {offsets = [23, 0, 0], sizes = [1, 32, 512], strides = [1, 1, 1]} : vector<26x32x512xf32> to vector<1x32x512xf32>
    %squeeze3A_227 = vector.shape_cast %slice3A_226 : vector<1x32x512xf32> to vector<32x512xf32>
    %broadcast_in_dim3A_228 = vector.shape_cast %squeeze3A_227 : vector<32x512xf32> to vector<1x32x512xf32>
    %mul3A_229 = vector.broadcast %broadcast_in_dim3A_228 : vector<1x32x512xf32> to vector<26x32x512xf32>
    %mul3A_230 = arith.mulf %reshape3A, %mul3A_229 : vector<26x32x512xf32>
    %reduce_sum3A_231 = arith.constant dense<0.000000e+00> : vector<26x512xf32>
    %reduce_sum3A_232 = vector.multi_reduction <add>, %mul3A_230, %reduce_sum3A_231 [1] : vector<26x32x512xf32> to vector<26x512xf32>
    %swap3A_233 = arith.constant 598 : index
    %swap3A_234 = arith.constant 0 : index
    %swap3A_235 = vector.load %arg10[%swap3A_233, %swap3A_234] : memref<676x512xf32, #tpu.memory_space<vmem>>, vector<26x512xf32>
    tpu.vector_store %arg10[%swap3A_233, %swap3A_234], %reduce_sum3A_232 {strides = array<i32>} : memref<676x512xf32, #tpu.memory_space<vmem>>, vector<26x512xf32>,
    %slice3A_236 = vector.extract_strided_slice %reshape3A {offsets = [24, 0, 0], sizes = [1, 32, 512], strides = [1, 1, 1]} : vector<26x32x512xf32> to vector<1x32x512xf32>
    %squeeze3A_237 = vector.shape_cast %slice3A_236 : vector<1x32x512xf32> to vector<32x512xf32>
    %broadcast_in_dim3A_238 = vector.shape_cast %squeeze3A_237 : vector<32x512xf32> to vector<1x32x512xf32>
    %mul3A_239 = vector.broadcast %broadcast_in_dim3A_238 : vector<1x32x512xf32> to vector<26x32x512xf32>
    %mul3A_240 = arith.mulf %reshape3A, %mul3A_239 : vector<26x32x512xf32>
    %reduce_sum3A_241 = arith.constant dense<0.000000e+00> : vector<26x512xf32>
    %reduce_sum3A_242 = vector.multi_reduction <add>, %mul3A_240, %reduce_sum3A_241 [1] : vector<26x32x512xf32> to vector<26x512xf32>
    %swap3A_243 = arith.constant 624 : index
    %swap3A_244 = arith.constant 0 : index
    %swap3A_245 = vector.load %arg10[%swap3A_243, %swap3A_244] : memref<676x512xf32, #tpu.memory_space<vmem>>, vector<26x512xf32>
    tpu.vector_store %arg10[%swap3A_243, %swap3A_244], %reduce_sum3A_242 {strides = array<i32>} : memref<676x512xf32, #tpu.memory_space<vmem>>, vector<26x512xf32>,
    %slice3A_246 = vector.extract_strided_slice %reshape3A {offsets = [25, 0, 0], sizes = [1, 32, 512], strides = [1, 1, 1]} : vector<26x32x512xf32> to vector<1x32x512xf32>
    %squeeze3A_247 = vector.shape_cast %slice3A_246 : vector<1x32x512xf32> to vector<32x512xf32>
    %broadcast_in_dim3A_248 = vector.shape_cast %squeeze3A_247 : vector<32x512xf32> to vector<1x32x512xf32>
    %mul3A_249 = vector.broadcast %broadcast_in_dim3A_248 : vector<1x32x512xf32> to vector<26x32x512xf32>
    %mul3A_250 = arith.mulf %reshape3A, %mul3A_249 : vector<26x32x512xf32>
    %reduce_sum3A_251 = arith.constant dense<0.000000e+00> : vector<26x512xf32>
    %reduce_sum3A_252 = vector.multi_reduction <add>, %mul3A_250, %reduce_sum3A_251 [1] : vector<26x32x512xf32> to vector<26x512xf32>
    %swap3A_253 = arith.constant 650 : index
    %swap3A_254 = arith.constant 0 : index
    %swap3A_255 = vector.load %arg10[%swap3A_253, %swap3A_254] : memref<676x512xf32, #tpu.memory_space<vmem>>, vector<26x512xf32>
    tpu.vector_store %arg10[%swap3A_253, %swap3A_254], %reduce_sum3A_252 {strides = array<i32>} : memref<676x512xf32, #tpu.memory_space<vmem>>, vector<26x512xf32>,
    %get3A_256 = arith.constant 0 : index
    %get3A_257 = arith.constant 0 : index
    %get3A_258 = vector.load %arg2[%get3A_256, %get3A_257] : memref<512x832xf32, #tpu.memory_space<vmem>>, vector<512x832xf32>
    %dot_general3A = arith.constant dense<0.000000e+00> : vector<512x512xf32>
    %dot_general3A_259 = tpu.matmul %get3A_258, %transpose3A, %dot_general3A {dimension_numbers = #tpu.dot_dimension_numbers<[1], [0], [0], [1], [0, 0, 1, 1], [], []>, transpose_lhs_hint = false} : vector<512x832xf32>, vector<832x512xf32>, vector<512x512xf32> -> vector<512x512xf32>
    %get3A_260 = arith.constant 0 : index
    %get3A_261 = arith.constant 0 : index
    %get3A_262 = vector.load %arg3[%get3A_260, %get3A_261] : memref<512x676xf32, #tpu.memory_space<vmem>>, vector<512x676xf32>
    %get3A_263 = arith.constant 0 : index
    %get3A_264 = arith.constant 0 : index
    %get3A_265 = vector.load %arg10[%get3A_263, %get3A_264] : memref<676x512xf32, #tpu.memory_space<vmem>>, vector<676x512xf32>
    %dot_general3A_266 = arith.constant dense<0.000000e+00> : vector<512x512xf32>
    %dot_general3A_267 = tpu.matmul %get3A_262, %get3A_265, %dot_general3A_266 {dimension_numbers = #tpu.dot_dimension_numbers<[1], [0], [0], [1], [0, 0, 1, 1], [], []>, transpose_lhs_hint = false} : vector<512x676xf32>, vector<676x512xf32>, vector<512x512xf32> -> vector<512x512xf32>
    %add3A = arith.addf %dot_general3A_259, %dot_general3A_267 : vector<512x512xf32>
    %get3A_268 = arith.constant 0 : index
    %get3A_269 = arith.constant 0 : index
    %get3A_270 = vector.load %arg4[%get3A_268, %get3A_269] : memref<512x1xf32, #tpu.memory_space<vmem>>, vector<512x1xf32>
    %add3A_271 = vector.broadcast %get3A_270 : vector<512x1xf32> to vector<512x512xf32>
    %add3A_272 = arith.addf %add3A, %add3A_271 : vector<512x512xf32>
    %max3A = arith.constant 0.000000e+00 : f32
    %max3A_273 = vector.broadcast %max3A : f32 to vector<512x512xf32>
    %max3A_274 = arith.maximumf %add3A_272, %max3A_273 : vector<512x512xf32>
    %get3A_275 = arith.constant 0 : index
    %get3A_276 = arith.constant 0 : index
    %get3A_277 = vector.load %arg5[%get3A_275, %get3A_276] : memref<256x512xf32, #tpu.memory_space<vmem>>, vector<256x512xf32>
    %dot_general3A_278 = arith.constant dense<0.000000e+00> : vector<256x512xf32>
    %dot_general3A_279 = tpu.matmul %get3A_277, %max3A_274, %dot_general3A_278 {dimension_numbers = #tpu.dot_dimension_numbers<[1], [0], [0], [1], [0, 0, 1, 1], [], []>, transpose_lhs_hint = false} : vector<256x512xf32>, vector<512x512xf32>, vector<256x512xf32> -> vector<256x512xf32>
    %get3A_280 = arith.constant 0 : index
    %get3A_281 = arith.constant 0 : index
    %get3A_282 = vector.load %arg6[%get3A_280, %get3A_281] : memref<256x1xf32, #tpu.memory_space<vmem>>, vector<256x1xf32>
    %add3A_283 = vector.broadcast %get3A_282 : vector<256x1xf32> to vector<256x512xf32>
    %add3A_284 = arith.addf %dot_general3A_279, %add3A_283 : vector<256x512xf32>
    %max3A_285 = arith.constant 0.000000e+00 : f32
    %max3A_286 = vector.broadcast %max3A_285 : f32 to vector<256x512xf32>
    %max3A_287 = arith.maximumf %add3A_284, %max3A_286 : vector<256x512xf32>
    %get3A_288 = arith.constant 0 : index
    %get3A_289 = arith.constant 0 : index
    %get3A_290 = vector.load %arg7[%get3A_288, %get3A_289] : memref<1x256xf32, #tpu.memory_space<vmem>>, vector<1x256xf32>
    %dot_general3A_291 = arith.constant dense<0.000000e+00> : vector<1x512xf32>
    %dot_general3A_292 = tpu.matmul %get3A_290, %max3A_287, %dot_general3A_291 {dimension_numbers = #tpu.dot_dimension_numbers<[1], [0], [0], [1], [0, 0, 1, 1], [], []>, transpose_lhs_hint = false} : vector<1x256xf32>, vector<256x512xf32>, vector<1x512xf32> -> vector<1x512xf32>
    %get3A_293 = arith.constant 0 : index
    %get3A_294 = arith.constant 0 : index
    %get3A_295 = vector.load %arg8[%get3A_293, %get3A_294] : memref<1x1xf32, #tpu.memory_space<vmem>>, vector<1x1xf32>
    %add3A_296 = vector.broadcast %get3A_295 : vector<1x1xf32> to vector<1x512xf32>
    %add3A_297 = arith.addf %dot_general3A_292, %add3A_296 : vector<1x512xf32>
    %swap3A_298 = arith.constant 0 : index
    %swap3A_299 = arith.constant 0 : index
    %swap3A_300 = vector.load %arg9[%swap3A_298, %swap3A_299] : memref<1x512xf32, #tpu.memory_space<vmem>>, vector<1x512xf32>
    tpu.vector_store %arg9[%swap3A_298, %swap3A_299], %add3A_297 {strides = array<i32>} : memref<1x512xf32, #tpu.memory_space<vmem>>, vector<1x512xf32>,
    return
  }
  func.func @transform_0(%arg0: i32) -> (i32, i32) {
    %c0_i32 = arith.constant 0 : i32
    %c0_i32_0 = arith.constant 0 : i32
    return %arg0, %c0_i32 : i32, i32
  }
  func.func @transform_1(%arg0: i32) -> (i32, i32) {
    %c0_i32 = arith.constant 0 : i32
    %c0_i32_0 = arith.constant 0 : i32
    %c0_i32_1 = arith.constant 0 : i32
    return %c0_i32, %c0_i32_0 : i32, i32
  }
  func.func @transform_2(%arg0: i32) -> (i32, i32) {
    %c0_i32 = arith.constant 0 : i32
    %c0_i32_0 = arith.constant 0 : i32
    %c0_i32_1 = arith.constant 0 : i32
    return %c0_i32, %c0_i32_0 : i32, i32
  }
  func.func @transform_3(%arg0: i32) -> (i32, i32) {
    %c0_i32 = arith.constant 0 : i32
    %c0_i32_0 = arith.constant 0 : i32
    %c0_i32_1 = arith.constant 0 : i32
    return %c0_i32, %c0_i32_0 : i32, i32
  }
  func.func @transform_4(%arg0: i32) -> (i32, i32) {
    %c0_i32 = arith.constant 0 : i32
    %c0_i32_0 = arith.constant 0 : i32
    %c0_i32_1 = arith.constant 0 : i32
    return %c0_i32, %c0_i32_0 : i32, i32
  }
  func.func @transform_5(%arg0: i32) -> (i32, i32) {
    %c0_i32 = arith.constant 0 : i32
    %c0_i32_0 = arith.constant 0 : i32
    %c0_i32_1 = arith.constant 0 : i32
    return %c0_i32, %c0_i32_0 : i32, i32
  }
  func.func @transform_6(%arg0: i32) -> (i32, i32) {
    %c0_i32 = arith.constant 0 : i32
    %c0_i32_0 = arith.constant 0 : i32
    %c0_i32_1 = arith.constant 0 : i32
    return %c0_i32, %c0_i32_0 : i32, i32
  }
  func.func @transform_7(%arg0: i32) -> (i32, i32) {
    %c0_i32 = arith.constant 0 : i32
    %c0_i32_0 = arith.constant 0 : i32
    %c0_i32_1 = arith.constant 0 : i32
    return %c0_i32, %c0_i32_0 : i32, i32
  }
  func.func @transform_8(%arg0: i32) -> (i32, i32) {
    %c0_i32 = arith.constant 0 : i32
    %c0_i32_0 = arith.constant 0 : i32
    return %c0_i32, %arg0 : i32, i32
  }
}

</mosaic_0001>

<sc_bundles>
// kernel: kernel.6.cloned.1.call-start
scs
__scs_entry_jumppad:
0x0: {  	(pc) =	sbr.rel $0x88, $3  }
0x1: {  	(tag) =	ssettag $0x0;
	lr =	simm.s32 $0x1  }
0x2: {  	[smem:$0x3F99] =	sst lr;
	_ =	strace $0xD0000000  }
0x3: {  	_ = 	snop  }
0x4: {  	_ = 	snop  }
0x5: {  	_ = 	snop  }
0x6: {  	_ = 	snop  }
0x7: {  	_ = 	snop  }
__scs_overlays_trampoline_lowered:
0x8: {  	[smem:$0x3FA8] =	sst s0  }
0x9: {  	[smem:$0x3FA9] =	sst s1  }
0xa: {  	[smem:$0x3FAA] =	sst s2  }
0xb: {  	[smem:$0x3FAB] =	sst s3  }
0xc: {  	[smem:$0x3FAC] =	sst s4  }
0xd: {  	[smem:$0x3FAD] =	sst s5  }
0xe: {  	[smem:$0x3FAE] =	sst s6  }
0xf: {  	[smem:$0x3FAF] =	sst s7  }
0x10: {  	[smem:$0x3FB0] =	sst s8  }
0x11: {  	[smem:$0x3FB1] =	sst s9;
	s0 =	simm.s32 @!p0 $0x0  }
0x12: {  	s1 =	sld [smem:$0x3F97];
	s0 =	simm.s32 @p0 $0x1  }
0x13: {  	[smem:$0x3FB2] =	sst s0;
	s0 =	simm.s32 @!p1 $0x0  }
0x14: {  	s2 =	sld [smem:$0x3F96];
	s0 =	simm.s32 @p1 $0x1  }
0x15: {  	[smem:$0x3FB3] =	sst s0;
	s0 =	simm.s32 @!p2 $0x0  }
0x16: {  	s3 =	sld [smem:$0x3FDB];
	s0 =	simm.s32 @p2 $0x1  }
0x17: {  	s4 =	simm.s32 $0x1BF5;
	[smem:$0x3FB5] =	sst s0  }
0x18: {  	s0 =	sld [smem:$0x3F98];
	_ =	swait.ge [sflag:s4], $0x0  }
0x19: {  	s7 =	sld [smem:$0x3F99]  }
0x1a: {  	s8 =	sadd.s32 $0xFFFFE003, lr  }
0x1b: {  	s9 =	sadd.s32 $0xFFFFFEF7, lr;
	s5 =	simm.s32 $0xFFFFFFFF;
	p2 =	slt.u32 s8, $0xFFFFF086  }
0x1c: {  	p1 =	slt.u32 s9, $0xF7A;
	s5 =	simm.s32 @!p2 $0x0  }
0x1d: {  	s5 =	simm.s32 @p1 $0x1;
	p0 =	seq.s32 s7, s2  }
0x1e: {  	s7 =	smul.u32 @!p0 $0xF7A, s2;
	p2 =	seq.s32 @!p0 s5, $0x0  }
0x1f: {  	s9 =	smul.u32 $0xF7A, s1;
	s8 =	simm.s32 @!p0 $0x1BF5;
	p2 =	por !p2, p0  }
0x20: {  	[sflag:s8] =	ssyncset.s32 @!p0 $0xFFFFF086;
	s6 =	sadd.s32 @!p0 s3, s7;
	s7 =	simm.s32 @!p0 $0x108  }
0x21: {  	s3 =	sadd.s32 s3, s9;
	s6 =	sadd.s32 @!p0 $0x88, s6;
	s7 =	simm.s32 @p2 $0x1082  }
0x22: {  	[simem:s7], [sflag:s8] =	dma.local @!p0 [hbm:s6], $0xF7A  }
0x23: {  	s9 =	sor.u32 $0xD0000000, s2;
	s6 =	simm.s32 $0x108;
	_ =	swait.ge @!p0 [sflag:s8], $0x0  }
0x24: {  	s3 =	sadd.s32 $0x88, s3;
	s6 =	simm.s32 @!p1 $0x1082;
	[sflag:s4] =	ssyncset.s32 $0xFFFFF086  }
0x25: {  	[simem:s6], [sflag:s4] =	dma.local [hbm:s3], $0xF7A  }
0x26: {  	[smem:$0x3F99] =	sst s1;
	(tag) =	ssettag s2;
	_ =	strace s9  }
0x27: {  	s1 =	sld [smem:$0x3FA9]  }
0x28: {  	s2 =	sld [smem:$0x3FAA]  }
0x29: {  	s4 =	sld [smem:$0x3FAC]  }
0x2a: {  	p0 =	seq.s32 s5, $0x0;
	s5 =	sld [smem:$0x3FAD]  }
0x2b: {  	s6 =	sld [smem:$0x3FAE]  }
0x2c: {  	s7 =	sld [smem:$0x3FAF]  }
0x2d: {  	s3 =	simm.s32 $0x108;
	s8 =	sld [smem:$0x3FB0]  }
0x2e: {  	s3 =	simm.s32 @!p0 $0x1082;
	s9 =	sld [smem:$0x3FB1]  }
0x2f: {  	lr =	sadd.s32 s0, s3;
	s0 =	sld [smem:$0x3FA8]  }
0x30: {  	s3 =	sld [smem:$0x3FAB]  }
0x31: {  	[smem:$0x3FB4] =	sst s10  }
0x32: {  	s10 =	sld [smem:$0x3FB2];
	_ =	sdelay $0x3  }
0x33: {  	p0 =	seq.s32 s10, $0x1;
	s10 =	sld [smem:$0x3FB4];
	_ =	sdelay $0x3  }
0x34: {  	[smem:$0x3FB4] =	sst s10  }
0x35: {  	s10 =	sld [smem:$0x3FB3];
	_ =	sdelay $0x3  }
0x36: {  	p1 =	seq.s32 s10, $0x1;
	s10 =	sld [smem:$0x3FB4];
	_ =	sdelay $0x3  }
0x37: {  	[smem:$0x3FB4] =	sst s10  }
0x38: {  	s10 =	sld [smem:$0x3FB5]  }
0x39: {  	_ = 	snop;
	(pc) =	sbr.ind lr, $3  }
0x3a: {  	_ = 	snop  }
0x3b: {  	_ = 	snop  }
0x3c: {  	p2 =	seq.s32 s10, $0x1;
	s10 =	sld [smem:$0x3FB4]  }
0x3d: {  	_ =	shalt  }
0x3e: {  	_ =	shalt  }
0x3f: {  	_ =	shalt  }
0x40: {  	_ =	shalt  }
0x41: {  	_ =	shalt  }
0x42: {  	_ =	shalt  }
0x43: {  	_ =	shalt  }
0x44: {  	_ =	shalt  }
0x45: {  	_ =	shalt  }
0x46: {  	_ =	shalt  }
0x47: {  	_ =	shalt  }
0x48: {  	_ =	shalt  }
0x49: {  	_ =	shalt  }
0x4a: {  	_ =	shalt  }
0x4b: {  	_ =	shalt  }
0x4c: {  	_ =	shalt  }
0x4d: {  	_ =	shalt  }
0x4e: {  	_ =	shalt  }
0x4f: {  	_ =	shalt  }
0x50: {  	_ =	shalt  }
0x51: {  	_ =	shalt  }
0x52: {  	_ =	shalt  }
0x53: {  	_ =	shalt  }
0x54: {  	_ =	shalt  }
0x55: {  	_ =	shalt  }
0x56: {  	_ =	shalt  }
0x57: {  	_ =	shalt  }
0x58: {  	_ =	shalt  }
0x59: {  	_ =	shalt  }
0x5a: {  	_ =	shalt  }
0x5b: {  	_ =	shalt  }
0x5c: {  	_ =	shalt  }
0x5d: {  	_ =	shalt  }
0x5e: {  	_ =	shalt  }
0x5f: {  	_ =	shalt  }
0x60: {  	_ =	shalt  }
0x61: {  	_ =	shalt  }
0x62: {  	_ =	shalt  }
0x63: {  	_ =	shalt  }
0x64: {  	_ =	shalt  }
0x65: {  	_ =	shalt  }
0x66: {  	_ =	shalt  }
0x67: {  	_ =	shalt  }
0x68: {  	_ =	shalt  }
0x69: {  	_ =	shalt  }
0x6a: {  	_ =	shalt  }
0x6b: {  	_ =	shalt  }
0x6c: {  	_ =	shalt  }
0x6d: {  	_ =	shalt  }
0x6e: {  	_ =	shalt  }
0x6f: {  	_ =	shalt  }
0x70: {  	_ =	shalt  }
0x71: {  	_ =	shalt  }
0x72: {  	_ =	shalt  }
0x73: {  	_ =	shalt  }
0x74: {  	_ =	shalt  }
0x75: {  	_ =	shalt  }
0x76: {  	_ =	shalt  }
0x77: {  	_ =	shalt  }
0x78: {  	_ =	shalt  }
0x79: {  	_ =	shalt  }
0x7a: {  	_ =	shalt  }
0x7b: {  	_ =	shalt  }
0x7c: {  	_ =	shalt  }
0x7d: {  	_ =	shalt  }
0x7e: {  	_ =	shalt  }
0x7f: {  	_ =	shalt  }
0x80: {  	_ =	shalt  }
0x81: {  	_ =	shalt  }
0x82: {  	_ =	shalt  }
0x83: {  	_ =	shalt  }
0x84: {  	_ =	shalt  }
0x85: {  	_ =	shalt  }
0x86: {  	_ =	shalt  }
0x87: {  	_ =	shalt  }
.Lfunc_end0:
.L_simem_size_0:
called_computation_lowered:
.L_overlay_start_0:
0x88: {  	s2 =	sld [smem:$0x3FD9]  }
0x89: {  	s3 =	sld [smem:$0x3FFE];
	_ =	sdelay $0x1  }
0x8a: {  	s1 =	srdreg.scid  }
0x8b: {  	s0 =	sand.u32 $0x1, s1  }
0x8c: {  	s16 =	sshll.u32 s0, $0xA;
	s2 =	sadd.s32 s3, s2  }
0x8d: {  	s2 =	sadd.s32 s2, s16  }
0x8e: {  	[smem:$0x3FC0] =	sst s2  }
0x8f: {  	_ = 	snop  }
0x90: {  	(tm) =	ssettm $0x1  }
0x91: {  	s17 =	sld [smem:$0x3FFB];
	_ =	sdelay $0x3  }
0x92: {  	_ =	strace s17  }
0x93: {  	s2 =	sld [smem:$0x3FFC];
	_ =	sdelay $0x3  }
0x94: {  	_ =	strace s2  }
0x95: {  	s2 =	sld [smem:$0x3FFD];
	_ =	sdelay $0x3  }
0x96: {  	_ =	strace s2  }
0x97: {  	_ =	strace $0x8FFFFFFF  }
0x98: {  	s18 =	sld [smem:$0x3FDB];
	_ =	sdelay $0x1  }
0x99: {  	s19 =	simm.s32 $_scs_section_size  }
0x9a: {  	s4 =	simm.s32 $_size__tile_overlayer_lowered;
	s5 =	simm.s32 $_tile_overlayer_lowered  }
0x9b: {  	s22 =	simm.s32 $0x1BFF;
	s21 =	sshll.u32 s5, $0x1;
	s2 =	sadd.s32 s19, s18  }
0x9c: {  	s6 =	simm.s32 $0x0;
	s20 =	sshll.u32 s4, $0x1;
	s4 =	sadd.s32 s21, s2  }
0x9d: {  	[timem:s6], [sflag:s22] =	dma.local [hbm:s4], s20  }
0x9e: {  	_ =	swait.ge [sflag:s22], s20  }
0x9f: {  	s3 =	ssub.s32 $0x0, s20;
	[sflag:s22] =	ssyncset.done $0x0  }
0xa0: {  	[sflag:s22] =	ssyncadd.s32 s3;
	_ =	sdelay $0x1  }
0xa1: {  	s23 =	simm.s32 $0x1B8B  }
0xa2: {  	_ =	swait.ge [sflag:s23], $0x1  }
0xa3: {  	[sflag:s23] =	ssyncset.done $0x0  }
0xa4: {  	s25 =	simm.s32 $0x1B8E;
	s24 =	sld [smem:$0x3FFE];
	[sflag:s23] =	ssyncadd.s32 $0xFFFFFFFF  }
0xa5: {  	s26 =	simm.s32 $execute0_lowered;
	[smem:$0x3FD2] =	sst s25  }
0xa6: {  	s4 =	sshll.u32 s26, $0x1;
	_ =	strace $0x80000046;
	[dreg:$0x1] =	wrdreg $0xFFFFFFFF  }
0xa7: {  	s28 =	simm.s32 $_size_execute0_lowered;
	s2 =	sadd.s32 s2, s4;
	[dreg:$0x0] =	wrdreg $0x0  }
0xa8: {  	s4 =	sshll.u32 s28, $0x1;
	[dreg:$0x2] =	wrdreg s2  }
0xa9: {  	[dreg:$0x3] =	wrdreg s4  }
0xaa: {  	[dreg:$0x4] =	wrdreg $0xC0  }
0xab: {  	_ =	task [dreg:s6], $0x5FFFF  }
0xac: {  	[dreg:$0x1] =	wrdreg $0xFFFFFFFF  }
0xad: {  	[dreg:$0x0] =	wrdreg $0x60  }
0xae: {  	[dreg:$0x2] =	wrdreg s24  }
0xaf: {  	[dreg:$0x3] =	wrdreg $0x9  }
0xb0: {  	_ =	task.clear_ibuf [dreg:s6], $0x4FFFF;
	_ =	strace $0x90000046  }
0xb1: {  	s29 =	simm.s32 $0x9;
	_ =	strace $0x8000004F  }
0xb2: {  	_ =	swait.ge [sflag:s29], $0x1  }
0xb3: {  	[sflag:s29] =	ssyncadd.s32 $0xFFFFFFFF  }
0xb4: {  	_ =	strace $0x9000004F  }
0xb5: {  	_ =	sfence  }
0xb6: {  	s30 =	sld [smem:$0x0];
	_ =	sdelay $0x2  }
0xb7: {  	s31 =	sshll.u32 s1, $0xD;
	s1 =	sshrl.u32 s1, $0x2  }
0xb8: {  	s3 =	sand.u32 $0x4000, s31;
	s1 =	sadd.s32 s1, s30  }
0xb9: {  	s0 =	sor.u32 s3, s0;
	s1 =	sshll.u32 s1, $0x11  }
0xba: {  	s0 =	sor.u32 s1, s0  }
0xbb: {  	s0 =	sadd.s32 $0x8F2B, s0  }
0xbc: {  	[sflag:s0] =	ssyncadd.remote.s32 $0x1  }
0xbd: {  	_ =	sfence.sel $0xFFFF  }
0xbe: {  	[dreg:$0x0] =	wrdreg $0xFFFFFFFF;
	(pc) =	sbr.abs _section_cstart, $3  }
0xbf: {  	[dreg:$0x1] =	wrdreg $0xFFFFFFFF  }
0xc0: {  	_ =	task.clear_ibuf [dreg:s6], $0x2FFFF;
	_ =	strace $0x9FFFFFFF  }
0xc1: {  	(tm) =	ssettm $0x7FFFFFFF  }
tec
execute0_lowered:
.L_overlay_start_1:
0x0: {  	(tag) =	ssettag $0x1  }
0x1: {  	s5 =	rddreg [dreg:$0x0]  }
0x2: {  	s0 =	rddreg [dreg:$0x1];
	s1 =	simm.s32 $0x0  }
0x3: {  	s2 =	srdreg.scid;
	s10 =	simm.s32 $0x5;
	s11 =	simm.s32 $0x4  }
0x4: {  	s12 =	simm.s32 $0x0;
	[smem:$0x7FF] =	sst s1;
	s3 =	sadd.s32 $0x27ADC00, s5  }
0x5: {  	s4 =	sadd.s32 $0x9800, s5;
	s6 =	sand.u32 $0x1, s2;
	s2 =	stileid.u32  }
0x6: {  	s5 =	sadd.s32 $0x10000, s5;
	s7 =	ssub.s32 $0x2, s6;
	s6 =	sshll.u32 s6, $0x4  }
0x7: {  	_ =	strace $0x80000047;
	s8 =	sshrl.u32 s7, $0x1;
	s9 =	sor.u32 s2, s6  }
0x8: {  	s8 =	ssub.s32 s7, s8;
	s6 =	sshll.u32 s9, $0x1;
	s31 =	sshll.u32 s9, $0x5  }
0x9: {  	s9 =	simm.s32 $0x80;
	s7 =	sadd.s32 s4, s31;
	s8 =	smax.u32 s8, $0x1  }
.LBB2_1:
0xa: {  	_ =	strace $0x80000048;
	s13 =	simm.s32 $0x34;
	s21 =	simm.s32 $0x0  }
0xb: {  	s20 =	simm.s32 $0x0;
	s14 =	simm.s32 $0x0;
	s15 =	simm.s32 $0x0  }
0xc: {  	[tilespmem:s1], [sflag:$0x1] =	stream.linear.gather [hbm4b:s7+s1], $0x80, $0x200038;
	[tilespmem:$0x2100] =	vst v63  }
0xd: {  	s16 =	simm.s32 $0x0;
	s17 =	simm.s32 $0x1;
	_ =	strace $0x90000048  }
.LBB2_2:
0xe: {  	s18 =	sadd.s32 $0x1, s21  }
0xf: {  	s19 =	simm.s32 $0x1;
	p0 =	seq.s32 s18, $0x2  }
0x10: {  	s19 =	simm.s32 @!p0 $0x0  }
0x11: {  	s19 =	sadd.s32 s19, s20  }
0x12: {  	p1 =	seq.s32 s19, $0x1A  }
0x13: {  	s22 =	sadd.s32 s6, s21;
	s18 =	simm.s32 @p0 $0x0;
	s19 =	simm.s32 @p1 $0x0  }
0x14: {  	s24 =	sshll.u32 s20, $0x6;
	s23 =	sadd.s32 s6, s18;
	s25 =	sshll.u32 s19, $0x6  }
0x15: {  	s24 =	sadd.s32 s24, s22;
	s23 =	sadd.s32 s25, s23  }
0x16: {  	p4 =	sne.s32 s13, $0x1;
	p0 =	sne.s32 s24, s23  }
0x17: {  	p2 =	seq.s32 s21, $0x0;
	s25 =	simm.s32 $0x1;
	p1 =	por !p4, !p0  }
0x18: {  	s26 =	sadd.s32 $0xFFFFFFFF, s21;
	s25 =	simm.s32 @!p2 $0x0;
	p1 =	por !p1, !p1  }
0x19: {  	s25 =	ssub.s32 s20, s25;
	s28 =	sand.u32 @p1 $0x1, s17;
	s23 =	sshll.u32 @p1 s23, $0x4  }
0x1a: {  	_ =	strace @p1 $0x80000049;
	s30 =	simm.s32 @p1 $0x0;
	s23 =	sand.u32 @p1 $0x1FFFFFF0, s23  }
0x1b: {  	s29 =	sshll.u32 @p1 s28, $0x7;
	s28 =	sadd.s32 @p1 $0x1, s28;
	s23 =	sadd.s32 @p1 s4, s23  }
0x1c: {  	[tilespmem:s29], [sflag:s28] =	stream.linear.gather @p1 [hbm4b:s23+s30], $0x80, $0x200038;
	[tilespmem:$0x2100] =	vst v63  }
0x1d: {  	s26 =	simm.s32 @p2 $0x1;
	p2 =	seq.s32 s25, $0xFFFFFFFF;
	s23 =	sshll.u32 s25, $0x6  }
0x1e: {  	s29 =	sadd.s32 s6, s26;
	s23 =	simm.s32 @p2 $0x640  }
0x1f: {  	p2 =	seq.s32 s13, $0x34;
	s23 =	sadd.s32 s23, s29  }
0x20: {  	p3 =	seq.s32 @!p2 s24, s23  }
0x21: {  	p3 =	por p2, !p3  }
0x22: {  	_ =	strace @p1 $0x90000049;
	s23 =	sand.u32 @p3 $0x1, s16  }
0x23: {  	_ =	strace @p3 $0x8000004A;
	s23 =	sadd.s32 @p3 $0x1, s23  }
0x24: {  	p6 =	seq.s32 s13, $0x1;
	s31 =	sshll.u32 s16, $0x7;
	_ =	swait.ge @p3 [sflag:s23], $0x80  }
0x25: {  	p5 =	sne.s32 s21, s18;
	p4 =	sne.s32 s20, s19;
	[sflag:s23] =	ssyncset.done @p3 $0x0  }
0x26: {  	s21 =	sand.u32 $0x1, s15;
	p4 =	por p5, p4;
	[sflag:s23] =	ssyncadd.s32 @p3 $0xFFFFFF80  }
0x27: {  	p4 =	por p6, p4;
	s30 =	sshll.u32 s21, $0xC;
	_ =	strace @p3 $0x9000004A  }
0x28: {  	s24 =	sand.u32 $0x80, s31;
	s23 =	sor.u32 $0x100, s30;
	_ =	strace $0x8000004B  }
0x29: {  	[tilespmem:s23], [sflag:$0x5] =	stream.indirect.gather [hbm4b:s3+s9], $0x20, s24, s9, $0x2000b8;
	[tilespmem:$0x2100] =	vst v63  }
0x2a: {  	s22 =	smul.u32 @p4 $0x1A000, s22;
	_ =	swait.ge [sflag:s10], $0x1000  }
0x2b: {  	s20 =	sshll.u32 @p4 s20, $0x5;
	[sflag:s10] =	ssyncset.done $0x0  }
0x2c: {  	s20 =	sadd.s32 @p4 s20, s22;
	s21 =	sadd.s32 @p4 $0x3, s21;
	[sflag:s10] =	ssyncadd.s32 $0xFFFFF000  }
0x2d: {  	s22 =	simm.s32 @p4 $0x20;
	s20 =	sshrl.u32 @p4 s20, $0x3;
	_ =	strace $0x9000004B  }
0x2e: {  	s20 =	sadd.s32 @p4 s5, s20;
	s24 =	simm.s32 @p4 $0x340;
	_ =	strace @p4 $0x8000004C  }
0x2f: {  	[hbm4b:s20+s22] =	stream.strided.scatter @p4 [tilespmem:s23], [sflag:s21], $0x1000, s24, s22, $0x200038;
	[tilespmem:$0x2100] =	vst v63  }
0x30: {  	s21 =	sand.u32 @!p2 $0x1, s14;
	_ =	strace @p4 $0x9000004C  }
0x31: {  	s21 =	sadd.s32 @!p2 $0x3, s21;
	_ =	strace @!p2 $0x8000004D  }
0x32: {  	p0 =	por p6, p0;
	s20 =	simm.s32 $0x1;
	_ =	swait.ge @!p2 [sflag:s21], $0x1000  }
0x33: {  	s20 =	simm.s32 @!p1 $0x0;
	p1 =	sne.s32 s13, $0x34;
	[sflag:s21] =	ssyncset.done @!p2 $0x0  }
0x34: {  	s13 =	sadd.s32 $0xFFFFFFFF, s13;
	[sflag:s21] =	ssyncadd.s32 @!p2 $0xFFFFF000;
	s21 =	simm.s32 $0x1  }
0x35: {  	s21 =	simm.s32 @!p0 $0x0;
	p0 =	sne.s32 s13, $0x0  }
.Ltmp0:
0x36: {  	_ = 	snop;
	(pc) =	sbr.rel @p0 .LBB2_2-.Ltmp0, $4  }
0x37: {  	s22 =	simm.s32 $0x1;
	s17 =	sadd.s32 s20, s17;
	s20 =	simm.s32 $0x1  }
0x38: {  	s22 =	simm.s32 @!p4 $0x0;
	s20 =	simm.s32 @!p1 $0x0  }
0x39: {  	s15 =	sadd.s32 s22, s15;
	s14 =	sadd.s32 s20, s14;
	s20 =	smov.u32 s19  }
0x3a: {  	_ =	strace @!p2 $0x9000004D;
	s16 =	sadd.s32 s21, s16;
	s21 =	smov.u32 s18  }
0x3b: {  	s12 =	sadd.s32 $0x1, s12  }
0x3c: {  	p0 =	sne.s32 s12, s8  }
.Ltmp1:
0x3d: {  	_ =	strace $0x8000004E;
	(pc) =	sbr.rel @p0 .LBB2_1-.Ltmp1, $4  }
0x3e: {  	_ =	swait.ge [sflag:s11], $0x1000  }
0x3f: {  	[sflag:s11] =	ssyncset.done $0x0  }
0x40: {  	[sflag:s11] =	ssyncadd.s32 $0xFFFFF000  }
0x41: {  	_ =	strace $0x9000004E  }
0x42: {  	_ =	sfence.sel $0x180000  }
0x43: {  	[bflag:$0x0] =	sbarrier.arrive $0xFFFF  }
0x44: {  	p0 =	sne.s32 s2, $0x0;
	_ =	strace $0x90000047  }
0x45: {  	s0 =	sadd.s32 @!p0 $0x100000, s0;
	[bflag:$0x2] =	sbarrier.arrive $0xFFFF  }
0x46: {  	[sflag:s0] =	ssyncadd.tile.s32 @!p0 $0x1;
	_ =	shalt  }
.Lfunc_end2:
_tile_overlayer_lowered:
.L_overlay_start_2:
0x47: {  	(tag) =	ssettag $0x2  }
0x48: {  	s0 =	rddreg [dreg:$0x0];
	s2 =	stileid.u32  }
0x49: {  	s1 =	rddreg [dreg:$0x1];
	p0 =	sne.s32 s2, $0x0  }
0x4a: {  	s3 =	rddreg [dreg:$0x2];
	[bflag:$0x3] =	sbarrier.arrive $0xFFFF;
	s2 =	simm.s32 @!p0 $0x1C01  }
0x4b: {  	[timem:s3], [sflag:s2] =	dma.local @!p0 [hbm:s0], s1  }
0x4c: {  	s0 =	simm.s32 @!p0 $0x1  }
0x4d: {  	_ =	swait.ge @!p0 [sflag:s0], s1  }
0x4e: {  	s1 =	ssub.s32 @!p0 $0x0, s1;
	[sflag:s0] =	ssyncset.done @!p0 $0x0  }
0x4f: {  	[sflag:s0] =	ssyncadd.s32 @!p0 s1  }
0x50: {  	[bflag:$0x3] =	sbarrier.arrive $0xFFFF  }
0x51: {  	_ =	shalt  }

// kernel: kernel.9.cloned.1.call-start
scs
__scs_entry_jumppad:
0x0: {  	(pc) =	sbr.rel $0x88, $3  }
0x1: {  	(tag) =	ssettag $0x0;
	lr =	simm.s32 $0x1  }
0x2: {  	[smem:$0x3F99] =	sst lr;
	_ =	strace $0xD0000000  }
0x3: {  	_ = 	snop  }
0x4: {  	_ = 	snop  }
0x5: {  	_ = 	snop  }
0x6: {  	_ = 	snop  }
0x7: {  	_ = 	snop  }
__scs_overlays_trampoline_lowered:
0x8: {  	[smem:$0x3FA8] =	sst s0  }
0x9: {  	[smem:$0x3FA9] =	sst s1  }
0xa: {  	[smem:$0x3FAA] =	sst s2  }
0xb: {  	[smem:$0x3FAB] =	sst s3  }
0xc: {  	[smem:$0x3FAC] =	sst s4  }
0xd: {  	[smem:$0x3FAD] =	sst s5  }
0xe: {  	[smem:$0x3FAE] =	sst s6  }
0xf: {  	[smem:$0x3FAF] =	sst s7  }
0x10: {  	[smem:$0x3FB0] =	sst s8  }
0x11: {  	[smem:$0x3FB1] =	sst s9;
	s0 =	simm.s32 @!p0 $0x0  }
0x12: {  	s1 =	sld [smem:$0x3F97];
	s0 =	simm.s32 @p0 $0x1  }
0x13: {  	[smem:$0x3FB2] =	sst s0;
	s0 =	simm.s32 @!p1 $0x0  }
0x14: {  	s2 =	sld [smem:$0x3F96];
	s0 =	simm.s32 @p1 $0x1  }
0x15: {  	[smem:$0x3FB3] =	sst s0;
	s0 =	simm.s32 @!p2 $0x0  }
0x16: {  	s3 =	sld [smem:$0x3FDB];
	s0 =	simm.s32 @p2 $0x1  }
0x17: {  	s4 =	simm.s32 $0x1BF5;
	[smem:$0x3FB5] =	sst s0  }
0x18: {  	s0 =	sld [smem:$0x3F98];
	_ =	swait.ge [sflag:s4], $0x0  }
0x19: {  	s7 =	sld [smem:$0x3F99]  }
0x1a: {  	s8 =	sadd.s32 $0xFFFFE003, lr  }
0x1b: {  	s9 =	sadd.s32 $0xFFFFFEF7, lr;
	s5 =	simm.s32 $0xFFFFFFFF;
	p2 =	slt.u32 s8, $0xFFFFF086  }
0x1c: {  	p1 =	slt.u32 s9, $0xF7A;
	s5 =	simm.s32 @!p2 $0x0  }
0x1d: {  	s5 =	simm.s32 @p1 $0x1;
	p0 =	seq.s32 s7, s2  }
0x1e: {  	s7 =	smul.u32 @!p0 $0xF7A, s2;
	p2 =	seq.s32 @!p0 s5, $0x0  }
0x1f: {  	s9 =	smul.u32 $0xF7A, s1;
	s8 =	simm.s32 @!p0 $0x1BF5;
	p2 =	por !p2, p0  }
0x20: {  	[sflag:s8] =	ssyncset.s32 @!p0 $0xFFFFF086;
	s6 =	sadd.s32 @!p0 s3, s7;
	s7 =	simm.s32 @!p0 $0x108  }
0x21: {  	s3 =	sadd.s32 s3, s9;
	s6 =	sadd.s32 @!p0 $0x88, s6;
	s7 =	simm.s32 @p2 $0x1082  }
0x22: {  	[simem:s7], [sflag:s8] =	dma.local @!p0 [hbm:s6], $0xF7A  }
0x23: {  	s9 =	sor.u32 $0xD0000000, s2;
	s6 =	simm.s32 $0x108;
	_ =	swait.ge @!p0 [sflag:s8], $0x0  }
0x24: {  	s3 =	sadd.s32 $0x88, s3;
	s6 =	simm.s32 @!p1 $0x1082;
	[sflag:s4] =	ssyncset.s32 $0xFFFFF086  }
0x25: {  	[simem:s6], [sflag:s4] =	dma.local [hbm:s3], $0xF7A  }
0x26: {  	[smem:$0x3F99] =	sst s1;
	(tag) =	ssettag s2;
	_ =	strace s9  }
0x27: {  	s1 =	sld [smem:$0x3FA9]  }
0x28: {  	s2 =	sld [smem:$0x3FAA]  }
0x29: {  	s4 =	sld [smem:$0x3FAC]  }
0x2a: {  	p0 =	seq.s32 s5, $0x0;
	s5 =	sld [smem:$0x3FAD]  }
0x2b: {  	s6 =	sld [smem:$0x3FAE]  }
0x2c: {  	s7 =	sld [smem:$0x3FAF]  }
0x2d: {  	s3 =	simm.s32 $0x108;
	s8 =	sld [smem:$0x3FB0]  }
0x2e: {  	s3 =	simm.s32 @!p0 $0x1082;
	s9 =	sld [smem:$0x3FB1]  }
0x2f: {  	lr =	sadd.s32 s0, s3;
	s0 =	sld [smem:$0x3FA8]  }
0x30: {  	s3 =	sld [smem:$0x3FAB]  }
0x31: {  	[smem:$0x3FB4] =	sst s10  }
0x32: {  	s10 =	sld [smem:$0x3FB2];
	_ =	sdelay $0x3  }
0x33: {  	p0 =	seq.s32 s10, $0x1;
	s10 =	sld [smem:$0x3FB4];
	_ =	sdelay $0x3  }
0x34: {  	[smem:$0x3FB4] =	sst s10  }
0x35: {  	s10 =	sld [smem:$0x3FB3];
	_ =	sdelay $0x3  }
0x36: {  	p1 =	seq.s32 s10, $0x1;
	s10 =	sld [smem:$0x3FB4];
	_ =	sdelay $0x3  }
0x37: {  	[smem:$0x3FB4] =	sst s10  }
0x38: {  	s10 =	sld [smem:$0x3FB5]  }
0x39: {  	_ = 	snop;
	(pc) =	sbr.ind lr, $3  }
0x3a: {  	_ = 	snop  }
0x3b: {  	_ = 	snop  }
0x3c: {  	p2 =	seq.s32 s10, $0x1;
	s10 =	sld [smem:$0x3FB4]  }
0x3d: {  	_ =	shalt  }
0x3e: {  	_ =	shalt  }
0x3f: {  	_ =	shalt  }
0x40: {  	_ =	shalt  }
0x41: {  	_ =	shalt  }
0x42: {  	_ =	shalt  }
0x43: {  	_ =	shalt  }
0x44: {  	_ =	shalt  }
0x45: {  	_ =	shalt  }
0x46: {  	_ =	shalt  }
0x47: {  	_ =	shalt  }
0x48: {  	_ =	shalt  }
0x49: {  	_ =	shalt  }
0x4a: {  	_ =	shalt  }
0x4b: {  	_ =	shalt  }
0x4c: {  	_ =	shalt  }
0x4d: {  	_ =	shalt  }
0x4e: {  	_ =	shalt  }
0x4f: {  	_ =	shalt  }
0x50: {  	_ =	shalt  }
0x51: {  	_ =	shalt  }
0x52: {  	_ =	shalt  }
0x53: {  	_ =	shalt  }
0x54: {  	_ =	shalt  }
0x55: {  	_ =	shalt  }
0x56: {  	_ =	shalt  }
0x57: {  	_ =	shalt  }
0x58: {  	_ =	shalt  }
0x59: {  	_ =	shalt  }
0x5a: {  	_ =	shalt  }
0x5b: {  	_ =	shalt  }
0x5c: {  	_ =	shalt  }
0x5d: {  	_ =	shalt  }
0x5e: {  	_ =	shalt  }
0x5f: {  	_ =	shalt  }
0x60: {  	_ =	shalt  }
0x61: {  	_ =	shalt  }
0x62: {  	_ =	shalt  }
0x63: {  	_ =	shalt  }
0x64: {  	_ =	shalt  }
0x65: {  	_ =	shalt  }
0x66: {  	_ =	shalt  }
0x67: {  	_ =	shalt  }
0x68: {  	_ =	shalt  }
0x69: {  	_ =	shalt  }
0x6a: {  	_ =	shalt  }
0x6b: {  	_ =	shalt  }
0x6c: {  	_ =	shalt  }
0x6d: {  	_ =	shalt  }
0x6e: {  	_ =	shalt  }
0x6f: {  	_ =	shalt  }
0x70: {  	_ =	shalt  }
0x71: {  	_ =	shalt  }
0x72: {  	_ =	shalt  }
0x73: {  	_ =	shalt  }
0x74: {  	_ =	shalt  }
0x75: {  	_ =	shalt  }
0x76: {  	_ =	shalt  }
0x77: {  	_ =	shalt  }
0x78: {  	_ =	shalt  }
0x79: {  	_ =	shalt  }
0x7a: {  	_ =	shalt  }
0x7b: {  	_ =	shalt  }
0x7c: {  	_ =	shalt  }
0x7d: {  	_ =	shalt  }
0x7e: {  	_ =	shalt  }
0x7f: {  	_ =	shalt  }
0x80: {  	_ =	shalt  }
0x81: {  	_ =	shalt  }
0x82: {  	_ =	shalt  }
0x83: {  	_ =	shalt  }
0x84: {  	_ =	shalt  }
0x85: {  	_ =	shalt  }
0x86: {  	_ =	shalt  }
0x87: {  	_ =	shalt  }
.Lfunc_end0:
.L_simem_size_0:
called_computation.1_lowered:
.L_overlay_start_0:
0x88: {  	s2 =	sld [smem:$0x3FD9]  }
0x89: {  	s3 =	sld [smem:$0x3FFE];
	_ =	sdelay $0x1  }
0x8a: {  	s1 =	srdreg.scid  }
0x8b: {  	s0 =	sand.u32 $0x1, s1  }
0x8c: {  	s17 =	sshll.u32 s0, $0xA;
	s2 =	sadd.s32 s3, s2  }
0x8d: {  	s2 =	sadd.s32 s2, s17  }
0x8e: {  	[smem:$0x3FC0] =	sst s2  }
0x8f: {  	_ = 	snop  }
0x90: {  	(tm) =	ssettm $0x1  }
0x91: {  	s18 =	sld [smem:$0x3FFB];
	_ =	sdelay $0x3  }
0x92: {  	_ =	strace s18  }
0x93: {  	s2 =	sld [smem:$0x3FFC];
	_ =	sdelay $0x3  }
0x94: {  	_ =	strace s2  }
0x95: {  	s2 =	sld [smem:$0x3FFD];
	_ =	sdelay $0x3  }
0x96: {  	_ =	strace s2  }
0x97: {  	_ =	strace $0x8FFFFFFF  }
0x98: {  	s19 =	sld [smem:$0x3FDB];
	_ =	sdelay $0x1  }
0x99: {  	s20 =	simm.s32 $_scs_section_size  }
0x9a: {  	s4 =	simm.s32 $_size__tile_overlayer_lowered;
	s5 =	simm.s32 $_tile_overlayer_lowered  }
0x9b: {  	s6 =	simm.s32 $0x1BFF;
	s21 =	sshll.u32 s5, $0x1;
	s3 =	sadd.s32 s20, s19  }
0x9c: {  	s22 =	simm.s32 $0x0;
	s4 =	sshll.u32 s4, $0x1;
	s5 =	sadd.s32 s21, s3  }
0x9d: {  	[timem:s22], [sflag:s6] =	dma.local [hbm:s5], s4  }
0x9e: {  	_ =	swait.ge [sflag:s6], s4  }
0x9f: {  	s4 =	ssub.s32 $0x0, s4;
	[sflag:s6] =	ssyncset.done $0x0  }
0xa0: {  	[sflag:s6] =	ssyncadd.s32 s4;
	_ =	sdelay $0x1  }
0xa1: {  	s23 =	simm.s32 $0x1B8B  }
0xa2: {  	_ =	swait.ge [sflag:s23], $0x1  }
0xa3: {  	[sflag:s23] =	ssyncset.done $0x0  }
0xa4: {  	[sflag:s23] =	ssyncadd.s32 $0xFFFFFFFF  }
0xa5: {  	s4 =	sld [smem:$0x0]  }
0xa6: {  	s5 =	sand.u32 $0xFFFFFFFE, s1  }
0xa7: {  	p0 =	sne.s32 s1, s5  }
0xa8: {  	s5 =	sshll.u32 @p0 s5, $0xE  }
0xa9: {  	s5 =	sadd.s32 @p0 $0x11B8D, s5;
	s6 =	sshll.u32 @p0 s4, $0x11  }
0xaa: {  	s5 =	sor.u32 @p0 s6, s5  }
0xab: {  	[sflag:s5] =	ssyncadd.remote.s32 @p0 $0x1;
	_ =	sdelay $0x1  }
0xac: {  	s5 =	simm.s32 @p0 $0x1B8D  }
0xad: {  	_ =	swait.eq @p0 [sflag:s5], $0x1  }
0xae: {  	[sflag:s5] =	ssyncadd.s32 @p0 $0xFFFFFFFF  }
0xaf: {  	s6 =	sshll.u32 @!p0 s1, $0xE  }
0xb0: {  	s6 =	sor.u32 @!p0 $0x4000, s6;
	s5 =	simm.s32 @!p0 $0x1B8D  }
0xb1: {  	s4 =	sshll.u32 @!p0 s4, $0x11;
	s6 =	sadd.s32 @!p0 $0x11B8D, s6;
	_ =	swait.eq @!p0 [sflag:s5], $0x1  }
0xb2: {  	s4 =	sor.u32 @!p0 s4, s6;
	[sflag:s5] =	ssyncadd.s32 @!p0 $0xFFFFFFFF  }
0xb3: {  	s25 =	simm.s32 $0x1B8E;
	s24 =	sld [smem:$0x3FFE];
	[sflag:s4] =	ssyncadd.remote.s32 @!p0 $0x1  }
0xb4: {  	s26 =	simm.s32 $execute0_lowered;
	[smem:$0x3FD2] =	sst s25  }
0xb5: {  	s5 =	sshll.u32 s26, $0x1;
	_ =	strace $0x80000050;
	[dreg:$0x1] =	wrdreg $0xFFFFFFFF  }
0xb6: {  	s28 =	simm.s32 $_size_execute0_lowered;
	s3 =	sadd.s32 s3, s5;
	[dreg:$0x0] =	wrdreg $0x0  }
0xb7: {  	s5 =	sshll.u32 s28, $0x1;
	[dreg:$0x2] =	wrdreg s3  }
0xb8: {  	[dreg:$0x3] =	wrdreg s5  }
0xb9: {  	[dreg:$0x4] =	wrdreg $0xC0  }
0xba: {  	_ =	task [dreg:s22], $0x5FFFF  }
0xbb: {  	[dreg:$0x1] =	wrdreg $0xFFFFFFFF  }
0xbc: {  	[dreg:$0x0] =	wrdreg $0x60  }
0xbd: {  	[dreg:$0x2] =	wrdreg s24  }
0xbe: {  	[dreg:$0x3] =	wrdreg $0xA  }
0xbf: {  	_ =	task.clear_ibuf [dreg:s22], $0x4FFFF;
	_ =	strace $0x90000050  }
0xc0: {  	s29 =	simm.s32 $0xA;
	_ =	strace $0x80000059  }
0xc1: {  	_ =	swait.ge [sflag:s29], $0x1  }
0xc2: {  	[sflag:s29] =	ssyncadd.s32 $0xFFFFFFFF  }
0xc3: {  	_ =	strace $0x90000059  }
0xc4: {  	_ =	sfence  }
0xc5: {  	s30 =	sld [smem:$0x0];
	_ =	sdelay $0x2  }
0xc6: {  	s31 =	sshll.u32 s1, $0xD;
	s1 =	sshrl.u32 s1, $0x2  }
0xc7: {  	s4 =	sand.u32 $0x4000, s31;
	s1 =	sadd.s32 s1, s30  }
0xc8: {  	s0 =	sor.u32 s4, s0;
	s1 =	sshll.u32 s1, $0x11  }
0xc9: {  	s0 =	sor.u32 s1, s0  }
0xca: {  	s0 =	sadd.s32 $0x8F2B, s0  }
0xcb: {  	[sflag:s0] =	ssyncadd.remote.s32 $0x1  }
0xcc: {  	_ =	sfence.sel $0xFFFF  }
0xcd: {  	[dreg:$0x0] =	wrdreg $0xFFFFFFFF;
	(pc) =	sbr.abs _section_cstart, $3  }
0xce: {  	[dreg:$0x1] =	wrdreg $0xFFFFFFFF  }
0xcf: {  	_ =	task.clear_ibuf [dreg:s22], $0x2FFFF;
	_ =	strace $0x9FFFFFFF  }
0xd0: {  	(tm) =	ssettm $0x7FFFFFFF  }
0xd1: {  	_ =	shalt  }
tec
execute0_lowered:
.L_overlay_start_1:
0x0: {  	(tag) =	ssettag $0x1  }
0x1: {  	s5 =	rddreg [dreg:$0x0]  }
0x2: {  	s0 =	rddreg [dreg:$0x1];
	s1 =	simm.s32 $0x0  }
0x3: {  	s2 =	srdreg.scid;
	s10 =	simm.s32 $0x5;
	s11 =	simm.s32 $0x4  }
0x4: {  	s12 =	simm.s32 $0x0;
	[smem:$0x7FF] =	sst s1;
	s3 =	sadd.s32 $0x27ADC00, s5  }
0x5: {  	s4 =	sadd.s32 $0x1800, s5;
	s6 =	sand.u32 $0x1, s2;
	s2 =	stileid.u32  }
0x6: {  	s5 =	sadd.s32 $0xE0000, s5;
	s7 =	ssub.s32 $0x2, s6;
	s6 =	sshll.u32 s6, $0x4  }
0x7: {  	_ =	strace $0x80000051;
	s8 =	sshrl.u32 s7, $0x1;
	s9 =	sor.u32 s2, s6  }
0x8: {  	s8 =	ssub.s32 s7, s8;
	s6 =	sshll.u32 s9, $0x1;
	s31 =	sshll.u32 s9, $0x5  }
0x9: {  	s9 =	simm.s32 $0x80;
	s7 =	sadd.s32 s4, s31;
	s8 =	smax.u32 s8, $0x1  }
.LBB2_1:
0xa: {  	_ =	strace $0x80000052;
	s13 =	simm.s32 $0x34;
	s21 =	simm.s32 $0x0  }
0xb: {  	s20 =	simm.s32 $0x0;
	s14 =	simm.s32 $0x0;
	s15 =	simm.s32 $0x0  }
0xc: {  	[tilespmem:s1], [sflag:$0x1] =	stream.linear.gather [hbm4b:s7+s1], $0x80, $0x200038;
	[tilespmem:$0x2100] =	vst v63  }
0xd: {  	s16 =	simm.s32 $0x0;
	s17 =	simm.s32 $0x1;
	_ =	strace $0x90000052  }
.LBB2_2:
0xe: {  	s18 =	sadd.s32 $0x1, s21  }
0xf: {  	s19 =	simm.s32 $0x1;
	p0 =	seq.s32 s18, $0x2  }
0x10: {  	s19 =	simm.s32 @!p0 $0x0  }
0x11: {  	s19 =	sadd.s32 s19, s20  }
0x12: {  	p1 =	seq.s32 s19, $0x1A  }
0x13: {  	s22 =	sadd.s32 s6, s21;
	s18 =	simm.s32 @p0 $0x0;
	s19 =	simm.s32 @p1 $0x0  }
0x14: {  	s24 =	sshll.u32 s20, $0x6;
	s23 =	sadd.s32 s6, s18;
	s25 =	sshll.u32 s19, $0x6  }
0x15: {  	s24 =	sadd.s32 s24, s22;
	s23 =	sadd.s32 s25, s23  }
0x16: {  	p4 =	sne.s32 s13, $0x1;
	p0 =	sne.s32 s24, s23  }
0x17: {  	p2 =	seq.s32 s21, $0x0;
	s25 =	simm.s32 $0x1;
	p1 =	por !p4, !p0  }
0x18: {  	s26 =	sadd.s32 $0xFFFFFFFF, s21;
	s25 =	simm.s32 @!p2 $0x0;
	p1 =	por !p1, !p1  }
0x19: {  	s25 =	ssub.s32 s20, s25;
	s28 =	sand.u32 @p1 $0x1, s17;
	s23 =	sshll.u32 @p1 s23, $0x4  }
0x1a: {  	_ =	strace @p1 $0x80000053;
	s30 =	simm.s32 @p1 $0x0;
	s23 =	sand.u32 @p1 $0x1FFFFFF0, s23  }
0x1b: {  	s29 =	sshll.u32 @p1 s28, $0x7;
	s28 =	sadd.s32 @p1 $0x1, s28;
	s23 =	sadd.s32 @p1 s4, s23  }
0x1c: {  	[tilespmem:s29], [sflag:s28] =	stream.linear.gather @p1 [hbm4b:s23+s30], $0x80, $0x200038;
	[tilespmem:$0x2100] =	vst v63  }
0x1d: {  	s26 =	simm.s32 @p2 $0x1;
	p2 =	seq.s32 s25, $0xFFFFFFFF;
	s23 =	sshll.u32 s25, $0x6  }
0x1e: {  	s29 =	sadd.s32 s6, s26;
	s23 =	simm.s32 @p2 $0x640  }
0x1f: {  	p2 =	seq.s32 s13, $0x34;
	s23 =	sadd.s32 s23, s29  }
0x20: {  	p3 =	seq.s32 @!p2 s24, s23  }
0x21: {  	p3 =	por p2, !p3  }
0x22: {  	_ =	strace @p1 $0x90000053;
	s23 =	sand.u32 @p3 $0x1, s16  }
0x23: {  	_ =	strace @p3 $0x80000054;
	s23 =	sadd.s32 @p3 $0x1, s23  }
0x24: {  	p6 =	seq.s32 s13, $0x1;
	s31 =	sshll.u32 s16, $0x7;
	_ =	swait.ge @p3 [sflag:s23], $0x80  }
0x25: {  	p5 =	sne.s32 s21, s18;
	p4 =	sne.s32 s20, s19;
	[sflag:s23] =	ssyncset.done @p3 $0x0  }
0x26: {  	s21 =	sand.u32 $0x1, s15;
	p4 =	por p5, p4;
	[sflag:s23] =	ssyncadd.s32 @p3 $0xFFFFFF80  }
0x27: {  	p4 =	por p6, p4;
	s30 =	sshll.u32 s21, $0xC;
	_ =	strace @p3 $0x90000054  }
0x28: {  	s24 =	sand.u32 $0x80, s31;
	s23 =	sor.u32 $0x100, s30;
	_ =	strace $0x80000055  }
0x29: {  	[tilespmem:s23], [sflag:$0x5] =	stream.indirect.gather [hbm4b:s3+s9], $0x20, s24, s9, $0x2000b8;
	[tilespmem:$0x2100] =	vst v63  }
0x2a: {  	s22 =	smul.u32 @p4 $0x1A000, s22;
	_ =	swait.ge [sflag:s10], $0x1000  }
0x2b: {  	s20 =	sshll.u32 @p4 s20, $0x5;
	[sflag:s10] =	ssyncset.done $0x0  }
0x2c: {  	s20 =	sadd.s32 @p4 s20, s22;
	s21 =	sadd.s32 @p4 $0x3, s21;
	[sflag:s10] =	ssyncadd.s32 $0xFFFFF000  }
0x2d: {  	s22 =	simm.s32 @p4 $0x20;
	s20 =	sshrl.u32 @p4 s20, $0x3;
	_ =	strace $0x90000055  }
0x2e: {  	s20 =	sadd.s32 @p4 s5, s20;
	s24 =	simm.s32 @p4 $0x340;
	_ =	strace @p4 $0x80000056  }
0x2f: {  	[hbm4b:s20+s22] =	stream.strided.scatter @p4 [tilespmem:s23], [sflag:s21], $0x1000, s24, s22, $0x200038;
	[tilespmem:$0x2100] =	vst v63  }
0x30: {  	s21 =	sand.u32 @!p2 $0x1, s14;
	_ =	strace @p4 $0x90000056  }
0x31: {  	s21 =	sadd.s32 @!p2 $0x3, s21;
	_ =	strace @!p2 $0x80000057  }
0x32: {  	p0 =	por p6, p0;
	s20 =	simm.s32 $0x1;
	_ =	swait.ge @!p2 [sflag:s21], $0x1000  }
0x33: {  	s20 =	simm.s32 @!p1 $0x0;
	p1 =	sne.s32 s13, $0x34;
	[sflag:s21] =	ssyncset.done @!p2 $0x0  }
0x34: {  	s13 =	sadd.s32 $0xFFFFFFFF, s13;
	[sflag:s21] =	ssyncadd.s32 @!p2 $0xFFFFF000;
	s21 =	simm.s32 $0x1  }
0x35: {  	s21 =	simm.s32 @!p0 $0x0;
	p0 =	sne.s32 s13, $0x0  }
.Ltmp0:
0x36: {  	_ = 	snop;
	(pc) =	sbr.rel @p0 .LBB2_2-.Ltmp0, $4  }
0x37: {  	s22 =	simm.s32 $0x1;
	s17 =	sadd.s32 s20, s17;
	s20 =	simm.s32 $0x1  }
0x38: {  	s22 =	simm.s32 @!p4 $0x0;
	s20 =	simm.s32 @!p1 $0x0  }
0x39: {  	s15 =	sadd.s32 s22, s15;
	s14 =	sadd.s32 s20, s14;
	s20 =	smov.u32 s19  }
0x3a: {  	_ =	strace @!p2 $0x90000057;
	s16 =	sadd.s32 s21, s16;
	s21 =	smov.u32 s18  }
0x3b: {  	s12 =	sadd.s32 $0x1, s12  }
0x3c: {  	p0 =	sne.s32 s12, s8  }
.Ltmp1:
0x3d: {  	_ =	strace $0x80000058;
	(pc) =	sbr.rel @p0 .LBB2_1-.Ltmp1, $4  }
0x3e: {  	_ =	swait.ge [sflag:s11], $0x1000  }
0x3f: {  	[sflag:s11] =	ssyncset.done $0x0  }
0x40: {  	[sflag:s11] =	ssyncadd.s32 $0xFFFFF000  }
0x41: {  	_ =	strace $0x90000058  }
0x42: {  	_ =	sfence.sel $0x180000  }
0x43: {  	[bflag:$0x0] =	sbarrier.arrive $0xFFFF  }
0x44: {  	p0 =	sne.s32 s2, $0x0;
	_ =	strace $0x90000051  }
0x45: {  	s0 =	sadd.s32 @!p0 $0x100000, s0;
	[bflag:$0x2] =	sbarrier.arrive $0xFFFF  }
0x46: {  	[sflag:s0] =	ssyncadd.tile.s32 @!p0 $0x1;
	_ =	shalt  }
.Lfunc_end2:
_tile_overlayer_lowered:
.L_overlay_start_2:
0x47: {  	(tag) =	ssettag $0x2  }
0x48: {  	s0 =	rddreg [dreg:$0x0];
	s2 =	stileid.u32  }
0x49: {  	s1 =	rddreg [dreg:$0x1];
	p0 =	sne.s32 s2, $0x0  }
0x4a: {  	s3 =	rddreg [dreg:$0x2];
	[bflag:$0x3] =	sbarrier.arrive $0xFFFF;
	s2 =	simm.s32 @!p0 $0x1C01  }
0x4b: {  	[timem:s3], [sflag:s2] =	dma.local @!p0 [hbm:s0], s1  }
0x4c: {  	s0 =	simm.s32 @!p0 $0x1  }
0x4d: {  	_ =	swait.ge @!p0 [sflag:s0], s1  }
0x4e: {  	s1 =	ssub.s32 @!p0 $0x0, s1;
	[sflag:s0] =	ssyncset.done @!p0 $0x0  }
0x4f: {  	[sflag:s0] =	ssyncadd.s32 @!p0 s1  }
0x50: {  	[bflag:$0x3] =	sbarrier.arrive $0xFFFF  }
0x51: {  	_ =	shalt  }

</sc_bundles>
